<compile_context>
chip_gen: v7x
topology: tpu7x:2x2x1
jax: 0.10.2.dev20260603
libtpu: 0.0.44.dev20260713+nightly
codegen_flags: <defaults>
</compile_context>

<pallas_src>
import functools

import jax
import jax.numpy as jnp
from jax import lax
from jax.experimental import pallas as pl
from jax.experimental.pallas import tpu as pltpu
from jax.experimental.pallas import tpu_sc as plsc

NC = 2
NS = 16
CH = 80


def _mesh():
    return plsc.VectorSubcoreMesh(
        core_axis_name="c", subcore_axis_name="s", num_cores=NC, num_subcores=NS
    )


def _degrees_call(ei_deg, zeros_row, ones_row, np_pad, n_chunks):
    rows_per_tile = np_pad // NS

    def body(ei_hbm, z_hbm, ones_hbm, degs_hbm, acc, idxb, ones_v, stage):
        c = lax.axis_index("c")
        s = lax.axis_index("s")
        off = pl.multiple_of(s * rows_per_tile, 8)
        pltpu.sync_copy(z_hbm, stage)
        pltpu.sync_copy(stage, acc.at[pl.ds(off, rows_per_tile)])
        pltpu.sync_copy(ei_hbm.at[c, s], idxb)
        pltpu.sync_copy(ones_hbm, ones_v)
        plsc.subcore_barrier()

        def step(i, carry):
            pltpu.sync_copy(ones_v, acc.at[idxb.at[i]], add=True)
            return carry

        lax.fori_loop(0, n_chunks, step, 0)
        plsc.subcore_barrier()
        out_off = pl.multiple_of(c * np_pad + s * rows_per_tile, 8)
        pltpu.sync_copy(acc.at[pl.ds(off, rows_per_tile)], stage)
        pltpu.sync_copy(stage, degs_hbm.at[pl.ds(out_off, rows_per_tile)])

    call = pl.kernel(
        body,
        out_type=jax.ShapeDtypeStruct((2 * np_pad,), jnp.float32),
        mesh=_mesh(),
        compiler_params=pltpu.CompilerParams(use_tc_tiling_on_sc=False),
        scratch_types=[
            pltpu.VMEM_SHARED((np_pad,), jnp.float32),
            pltpu.VMEM((n_chunks, CH), jnp.int32),
            pltpu.VMEM((CH,), jnp.float32),
            pltpu.VMEM((np_pad // NS,), jnp.float32),
        ],
    )
    return call(ei_deg, zeros_row, ones_row)


def _aggregate_call(feat_src, ei_agg, zeros_blk, np_pad, n_chunks):
    d = feat_src.shape[1]
    rows_per_tile = np_pad // NS

    n_sub = rows_per_tile // CH

    def body(feat_hbm, ei_hbm, z_hbm, parts_hbm, acc, sidx, didx, rows, sem):
        c = lax.axis_index("c")
        s = lax.axis_index("s")
        off = pl.multiple_of(s * rows_per_tile, 8)
        pltpu.sync_copy(z_hbm, rows)
        for k in range(n_sub):
            pltpu.sync_copy(rows, acc.at[pl.ds(off + k * CH, CH)])
        pltpu.sync_copy(ei_hbm.at[0, c, s], sidx)
        pltpu.sync_copy(ei_hbm.at[1, c, s], didx)
        plsc.subcore_barrier()

        def step(i, carry):
            pltpu.async_copy(feat_hbm.at[sidx.at[i]], rows, sem).wait()
            pltpu.sync_copy(rows, acc.at[didx.at[i]], add=True)
            return carry

        lax.fori_loop(0, n_chunks, step, 0)
        plsc.subcore_barrier()
        for k in range(n_sub):
            pltpu.sync_copy(acc.at[pl.ds(off + k * CH, CH)], rows)
            pltpu.sync_copy(rows, parts_hbm.at[c, pl.ds(off + k * CH, CH)])

    call = pl.kernel(
        body,
        out_type=jax.ShapeDtypeStruct((2, np_pad, d), jnp.float32),
        mesh=_mesh(),
        compiler_params=pltpu.CompilerParams(use_tc_tiling_on_sc=False),
        scratch_types=[
            pltpu.VMEM_SHARED((np_pad, d), jnp.float32),
            pltpu.VMEM((n_chunks, CH), jnp.int32),
            pltpu.VMEM((n_chunks, CH), jnp.int32),
            pltpu.VMEM((CH, d), jnp.float32),
            pltpu.SemaphoreType.DMA,
        ],
    )
    return call(feat_src, ei_agg, zeros_blk)


def kernel(feat, edge_index, weight, bias):
    n, d = feat.shape
    e = edge_index.shape[1]
    np_pad = -(-n // (NS * 64)) * (NS * 64)
    ept_deg = e // NS
    ept_agg = e // (NC * NS)
    nck_deg = ept_deg // CH
    nck_agg = ept_agg // CH

    ei_deg = edge_index.reshape(2, NS, nck_deg, CH)
    ei_agg = edge_index.reshape(2, NC, NS, nck_agg, CH)
    zeros_row = jnp.zeros((np_pad // NS,), jnp.float32)
    ones_row = jnp.ones((CH,), jnp.float32)
    zeros_blk = jnp.zeros((CH, d), jnp.float32)

    degs = _degrees_call(ei_deg, zeros_row, ones_row, np_pad, nck_deg)
    degs = degs.reshape(2, np_pad)

    def scale_body(feat_ref, degs_ref, out_ref):
        od = degs_ref[0, :n]
        out_ref[...] = feat_ref[...] * lax.rsqrt(jnp.maximum(od, 1.0))[:, None]

    feat_src = pl.pallas_call(
        scale_body,
        out_shape=jax.ShapeDtypeStruct((n, d), jnp.float32),
    )(feat, degs)

    parts = _aggregate_call(feat_src, ei_agg, zeros_blk, np_pad, nck_agg)

    def fin_body(parts_ref, degs_ref, w_ref, b_ref, out_ref):
        m = parts_ref[0, :n, :] + parts_ref[1, :n, :]
        r = jnp.dot(m, w_ref[...], preferred_element_type=jnp.float32)
        si = lax.rsqrt(jnp.maximum(degs_ref[1, :n], 1.0))
        out_ref[...] = r * si[:, None] + b_ref[...]

    return pl.pallas_call(
        fin_body,
        out_shape=jax.ShapeDtypeStruct((n, d), jnp.float32),
    )(parts, degs, weight, bias.reshape(1, d))

# --- scband reference (transcript-rebuilt; emitter-appended) ---
"""Pipeline reference for scband-gcnlayer-901943132166 (READ-ONLY COPY).

The authoritative reference and input builder live on the scoring server;
editing this copy changes nothing except your own understanding.
"""

import jax, jax.numpy as jnp
import numpy as np

N = 10000
E = 320000
D_IN = 128
D_OUT = 128

def _xavier_uniform(key, fan_in, fan_out):
    limit = float(np.sqrt(6.0 / (fan_in + fan_out)))
    return jax.random.uniform(key, (fan_in, fan_out), minval=-limit, maxval=limit, dtype=jnp.float32)

def setup_inputs(seed: int = 0) -> dict:
    key = jax.random.key(seed)
    k1, k2, k3 = jax.random.split(key, 3)
    feat = jax.random.normal(k1, (N, D_IN), dtype=jnp.float32)
    edge_index = jax.random.randint(k2, (2, E), 0, N, dtype=jnp.int32)
    weight = _xavier_uniform(k3, D_IN, D_OUT)
    bias = jnp.zeros((D_OUT,), dtype=jnp.float32)
    return {"feat": feat, "edge_index": edge_index, "weight": weight, "bias": bias}

def reference(feat, edge_index, weight, bias):
    # GCNLayer forward with norm='both', allow_zero_in_degree=True,
    # no edge_weight, no batch_norm, no activation.
    src = edge_index[0]
    dst = edge_index[1]
    n = feat.shape[0]
    out_deg = jnp.clip(jnp.bincount(src, length=n), 1).astype(feat.dtype)
    in_deg = jnp.clip(jnp.bincount(dst, length=n), 1).astype(feat.dtype)
    # left normalization (out-degree^-0.5) on source features
    feat_src = feat * (out_deg ** -0.5)[:, None]
    # message passing: copy_u + sum aggregation (gather from src, scatter-add to dst)
    msgs = feat_src[src]
    rst = jax.ops.segment_sum(msgs, dst, num_segments=n)
    # in_feats == out_feats (not >), so matmul happens AFTER aggregation
    rst = jnp.matmul(rst, weight)
    # right normalization (in-degree^-0.5)
    rst = rst * (in_deg ** -0.5)[:, None]
    rst = rst + bias
    return rst

if __name__ == "__main__":
    import jax
    _d = setup_inputs()
    print(jax.jit(kernel)(*tuple(_d.values())))

</pallas_src>

<mosaic_0001>
#map = affine_map<(d0, d1) -> (0, 0, 0, 0)>
#map1 = affine_map<(d0, d1) -> (0)>
module attributes {stable_mosaic.version = 14 : i64} {
  func.func @body(%arg0: i32, %arg1: i32, %arg2: memref<2x16x250x80xi32, #tpu.memory_space<hbm>>, %arg3: memref<640xf32, #tpu.memory_space<hbm>>, %arg4: memref<80xf32, #tpu.memory_space<hbm>>, %arg5: memref<20480xf32, #tpu.memory_space<hbm>>, %arg6: memref<10240xf32, #tpu.memory_space<vmem_shared>>, %arg7: memref<250x80xi32, #tpu.memory_space<vmem>>, %arg8: memref<80xf32, #tpu.memory_space<vmem>>, %arg9: memref<640xf32, #tpu.memory_space<vmem>>) attributes {dimension_semantics = [#tpu.dimension_semantics<core_parallel>, #tpu.dimension_semantics<subcore_parallel>], iteration_bounds = array<i64: 2, 16>, scalar_prefetch = 0 : i64, scratch_operands = 4 : i64, tpu.core_type = #tpu.core_type<sc_vector_subcore>, window_params = [{transform_indices = #map}, {transform_indices = #map1}, {transform_indices = #map1}, {transform_indices = #map1}]} {
    %mul3A = arith.constant 640 : i32
    %mul3A_0 = arith.muli %arg1, %mul3A : i32
    %multiple_of3A = tpu.assume_multiple %mul3A_0, 8 : i32
    "tpu.region"() ({
      %run_scoped3A = tpu.sem_alloc : memref<!tpu.dma_semaphore, #tpu.memory_space<semaphore_mem>>
      tpu.enqueue_dma source(%arg3 : memref<640xf32, #tpu.memory_space<hbm>>) target(%arg9 : memref<640xf32, #tpu.memory_space<vmem>>) target_semaphore(%run_scoped3A : memref<!tpu.dma_semaphore, #tpu.memory_space<semaphore_mem>>)
      tpu.wait_dma2 semaphore(%run_scoped3A : memref<!tpu.dma_semaphore, #tpu.memory_space<semaphore_mem>>) src(%arg3 : memref<640xf32, #tpu.memory_space<hbm>>) dst(%arg9 : memref<640xf32, #tpu.memory_space<vmem>>)
      tpu.yield
    }) : () -> ()
    "tpu.region"() ({
      %run_scoped3A = tpu.sem_alloc : memref<!tpu.dma_semaphore, #tpu.memory_space<semaphore_mem>>
      %dma_start3A = tpu.memref_slice %arg6[%multiple_of3A] : memref<10240xf32, #tpu.memory_space<vmem_shared>> -> memref<640xf32, #tpu.memory_space<vmem_shared>>
      %dma_start3A_12 = tpu.memref_slice %arg6[%multiple_of3A] : memref<10240xf32, #tpu.memory_space<vmem_shared>> -> memref<640xf32, #tpu.memory_space<vmem_shared>>
      tpu.enqueue_dma source(%arg9 : memref<640xf32, #tpu.memory_space<vmem>>) target(%dma_start3A_12 : memref<640xf32, #tpu.memory_space<vmem_shared>>) target_semaphore(%run_scoped3A : memref<!tpu.dma_semaphore, #tpu.memory_space<semaphore_mem>>)
      %dma_wait3A = tpu.memref_slice %arg6[%multiple_of3A] : memref<10240xf32, #tpu.memory_space<vmem_shared>> -> memref<640xf32, #tpu.memory_space<vmem_shared>>
      %dma_wait3A_13 = tpu.memref_slice %arg6[%multiple_of3A] : memref<10240xf32, #tpu.memory_space<vmem_shared>> -> memref<640xf32, #tpu.memory_space<vmem_shared>>
      tpu.wait_dma2 semaphore(%run_scoped3A : memref<!tpu.dma_semaphore, #tpu.memory_space<semaphore_mem>>) src(%arg9 : memref<640xf32, #tpu.memory_space<vmem>>) dst(%dma_wait3A_13 : memref<640xf32, #tpu.memory_space<vmem_shared>>)
      tpu.yield
    }) : () -> ()
    "tpu.region"() ({
      %run_scoped3A = tpu.sem_alloc : memref<!tpu.dma_semaphore, #tpu.memory_space<semaphore_mem>>
      %dma_start3A = arith.constant 0 : i32
      %dma_start3A_12 = arith.constant 0 : i32
      %dma_start3A_13 = tpu.memref_slice %arg2[%arg0, %arg1, %dma_start3A, %dma_start3A_12] : memref<2x16x250x80xi32, #tpu.memory_space<hbm>> -> memref<1x1x250x80xi32, #tpu.memory_space<hbm>>
      %dma_start3A_14 = tpu.memref_squeeze %dma_start3A_13 : memref<1x1x250x80xi32, #tpu.memory_space<hbm>> -> memref<250x80xi32, #tpu.memory_space<hbm>>
      %dma_start3A_15 = arith.constant 0 : i32
      %dma_start3A_16 = arith.constant 0 : i32
      %dma_start3A_17 = tpu.memref_slice %arg2[%arg0, %arg1, %dma_start3A_15, %dma_start3A_16] : memref<2x16x250x80xi32, #tpu.memory_space<hbm>> -> memref<1x1x250x80xi32, #tpu.memory_space<hbm>>
      %dma_start3A_18 = tpu.memref_squeeze %dma_start3A_17 : memref<1x1x250x80xi32, #tpu.memory_space<hbm>> -> memref<250x80xi32, #tpu.memory_space<hbm>>
      tpu.enqueue_dma source(%dma_start3A_18 : memref<250x80xi32, #tpu.memory_space<hbm>>) target(%arg7 : memref<250x80xi32, #tpu.memory_space<vmem>>) target_semaphore(%run_scoped3A : memref<!tpu.dma_semaphore, #tpu.memory_space<semaphore_mem>>)
      %dma_wait3A = arith.constant 0 : i32
      %dma_wait3A_19 = arith.constant 0 : i32
      %dma_wait3A_20 = tpu.memref_slice %arg2[%arg0, %arg1, %dma_wait3A, %dma_wait3A_19] : memref<2x16x250x80xi32, #tpu.memory_space<hbm>> -> memref<1x1x250x80xi32, #tpu.memory_space<hbm>>
      %dma_wait3A_21 = tpu.memref_squeeze %dma_wait3A_20 : memref<1x1x250x80xi32, #tpu.memory_space<hbm>> -> memref<250x80xi32, #tpu.memory_space<hbm>>
      %dma_wait3A_22 = arith.constant 0 : i32
      %dma_wait3A_23 = arith.constant 0 : i32
      %dma_wait3A_24 = tpu.memref_slice %arg2[%arg0, %arg1, %dma_wait3A_22, %dma_wait3A_23] : memref<2x16x250x80xi32, #tpu.memory_space<hbm>> -> memref<1x1x250x80xi32, #tpu.memory_space<hbm>>
      %dma_wait3A_25 = tpu.memref_squeeze %dma_wait3A_24 : memref<1x1x250x80xi32, #tpu.memory_space<hbm>> -> memref<250x80xi32, #tpu.memory_space<hbm>>
      tpu.wait_dma2 semaphore(%run_scoped3A : memref<!tpu.dma_semaphore, #tpu.memory_space<semaphore_mem>>) src(%dma_wait3A_25 : memref<250x80xi32, #tpu.memory_space<hbm>>) dst(%arg7 : memref<250x80xi32, #tpu.memory_space<vmem>>)
      tpu.yield
    }) : () -> ()
    "tpu.region"() ({
      %run_scoped3A = tpu.sem_alloc : memref<!tpu.dma_semaphore, #tpu.memory_space<semaphore_mem>>
      tpu.enqueue_dma source(%arg4 : memref<80xf32, #tpu.memory_space<hbm>>) target(%arg8 : memref<80xf32, #tpu.memory_space<vmem>>) target_semaphore(%run_scoped3A : memref<!tpu.dma_semaphore, #tpu.memory_space<semaphore_mem>>)
      tpu.wait_dma2 semaphore(%run_scoped3A : memref<!tpu.dma_semaphore, #tpu.memory_space<semaphore_mem>>) src(%arg4 : memref<80xf32, #tpu.memory_space<hbm>>) dst(%arg8 : memref<80xf32, #tpu.memory_space<vmem>>)
      tpu.yield
    }) : () -> ()
    %barrier3A = arith.constant 0 : index
    tpu.barrier barrier_id(%barrier3A)
    %scan3A = arith.constant 0 : i32
    %scan3A_1 = arith.constant 0 : i32
    %scan3A_2 = arith.constant 250 : i32
    %scan3A_3 = arith.addi %scan3A_1, %scan3A_2 : i32
    %scan3A_4 = arith.constant 1 : i32
    scf.for %scan3A_12 = %scan3A_1 to %scan3A_3 step %scan3A_4  : i32 {
      "tpu.region"() ({
        %run_scoped3A = tpu.sem_alloc : memref<!tpu.dma_semaphore, #tpu.memory_space<semaphore_mem>>
        %dma_start3A = arith.constant 0 : i32
        %dma_start3A_13 = tpu.memref_slice %arg7[%scan3A_12, %dma_start3A] : memref<250x80xi32, #tpu.memory_space<vmem>> -> memref<1x80xi32, #tpu.memory_space<vmem>>
        %dma_start3A_14 = tpu.memref_squeeze %dma_start3A_13 : memref<1x80xi32, #tpu.memory_space<vmem>> -> memref<80xi32, #tpu.memory_space<vmem>>
        %dma_start3A_15 = arith.constant 0 : i32
        %dma_start3A_16 = tpu.memref_slice %arg6[%dma_start3A_15] : memref<10240xf32, #tpu.memory_space<vmem_shared>> -> memref<10240xf32, #tpu.memory_space<vmem_shared>>
        tpu.enqueue_indirect_dma source(%arg8 : memref<80xf32, #tpu.memory_space<vmem>>) target(%dma_start3A_16 : memref<10240xf32, #tpu.memory_space<vmem_shared>>) offsets(%dma_start3A_14 : memref<80xi32, #tpu.memory_space<vmem>>) semaphore(%run_scoped3A : memref<!tpu.dma_semaphore, #tpu.memory_space<semaphore_mem>>) {add = true}
        %dma_wait3A = arith.constant 0 : i32
        %dma_wait3A_17 = tpu.memref_slice %arg7[%scan3A_12, %dma_wait3A] : memref<250x80xi32, #tpu.memory_space<vmem>> -> memref<1x80xi32, #tpu.memory_space<vmem>>
        %dma_wait3A_18 = tpu.memref_squeeze %dma_wait3A_17 : memref<1x80xi32, #tpu.memory_space<vmem>> -> memref<80xi32, #tpu.memory_space<vmem>>
        %dma_wait3A_19 = arith.constant 0 : i32
        %dma_wait3A_20 = tpu.memref_slice %arg6[%dma_wait3A_19] : memref<10240xf32, #tpu.memory_space<vmem_shared>> -> memref<10240xf32, #tpu.memory_space<vmem_shared>>
        tpu.wait_indirect_dma semaphore(%run_scoped3A : memref<!tpu.dma_semaphore, #tpu.memory_space<semaphore_mem>>) src(%arg8 : memref<80xf32, #tpu.memory_space<vmem>>) dst(%dma_wait3A_20 : memref<10240xf32, #tpu.memory_space<vmem_shared>>)
        tpu.yield
      }) : () -> ()
    }
    %scan3A_5 = arith.constant 250 : i32
    %barrier3A_6 = arith.constant 0 : index
    tpu.barrier barrier_id(%barrier3A_6)
    %mul3A_7 = arith.constant 10240 : i32
    %mul3A_8 = arith.muli %arg0, %mul3A_7 : i32
    %mul3A_9 = arith.constant 640 : i32
    %mul3A_10 = arith.muli %arg1, %mul3A_9 : i32
    %add3A = arith.addi %mul3A_8, %mul3A_10 : i32
    %multiple_of3A_11 = tpu.assume_multiple %add3A, 8 : i32
    "tpu.region"() ({
      %run_scoped3A = tpu.sem_alloc : memref<!tpu.dma_semaphore, #tpu.memory_space<semaphore_mem>>
      %dma_start3A = tpu.memref_slice %arg6[%multiple_of3A] : memref<10240xf32, #tpu.memory_space<vmem_shared>> -> memref<640xf32, #tpu.memory_space<vmem_shared>>
      %dma_start3A_12 = tpu.memref_slice %arg6[%multiple_of3A] : memref<10240xf32, #tpu.memory_space<vmem_shared>> -> memref<640xf32, #tpu.memory_space<vmem_shared>>
      tpu.enqueue_dma source(%dma_start3A_12 : memref<640xf32, #tpu.memory_space<vmem_shared>>) target(%arg9 : memref<640xf32, #tpu.memory_space<vmem>>) target_semaphore(%run_scoped3A : memref<!tpu.dma_semaphore, #tpu.memory_space<semaphore_mem>>)
      %dma_wait3A = tpu.memref_slice %arg6[%multiple_of3A] : memref<10240xf32, #tpu.memory_space<vmem_shared>> -> memref<640xf32, #tpu.memory_space<vmem_shared>>
      %dma_wait3A_13 = tpu.memref_slice %arg6[%multiple_of3A] : memref<10240xf32, #tpu.memory_space<vmem_shared>> -> memref<640xf32, #tpu.memory_space<vmem_shared>>
      tpu.wait_dma2 semaphore(%run_scoped3A : memref<!tpu.dma_semaphore, #tpu.memory_space<semaphore_mem>>) src(%dma_wait3A_13 : memref<640xf32, #tpu.memory_space<vmem_shared>>) dst(%arg9 : memref<640xf32, #tpu.memory_space<vmem>>)
      tpu.yield
    }) : () -> ()
    "tpu.region"() ({
      %run_scoped3A = tpu.sem_alloc : memref<!tpu.dma_semaphore, #tpu.memory_space<semaphore_mem>>
      %dma_start3A = tpu.memref_slice %arg5[%multiple_of3A_11] : memref<20480xf32, #tpu.memory_space<hbm>> -> memref<640xf32, #tpu.memory_space<hbm>>
      %dma_start3A_12 = tpu.memref_slice %arg5[%multiple_of3A_11] : memref<20480xf32, #tpu.memory_space<hbm>> -> memref<640xf32, #tpu.memory_space<hbm>>
      tpu.enqueue_dma source(%arg9 : memref<640xf32, #tpu.memory_space<vmem>>) target(%dma_start3A_12 : memref<640xf32, #tpu.memory_space<hbm>>) target_semaphore(%run_scoped3A : memref<!tpu.dma_semaphore, #tpu.memory_space<semaphore_mem>>)
      %dma_wait3A = tpu.memref_slice %arg5[%multiple_of3A_11] : memref<20480xf32, #tpu.memory_space<hbm>> -> memref<640xf32, #tpu.memory_space<hbm>>
      %dma_wait3A_13 = tpu.memref_slice %arg5[%multiple_of3A_11] : memref<20480xf32, #tpu.memory_space<hbm>> -> memref<640xf32, #tpu.memory_space<hbm>>
      tpu.wait_dma2 semaphore(%run_scoped3A : memref<!tpu.dma_semaphore, #tpu.memory_space<semaphore_mem>>) src(%arg9 : memref<640xf32, #tpu.memory_space<vmem>>) dst(%dma_wait3A_13 : memref<640xf32, #tpu.memory_space<hbm>>)
      tpu.yield
    }) : () -> ()
    return
  }
}

#map = affine_map<(d0, d1) -> (0, 0)>
#map1 = affine_map<(d0, d1) -> (0, 0, 0, 0, 0)>
#map2 = affine_map<(d0, d1) -> (0, 0, 0)>
module attributes {stable_mosaic.version = 14 : i64} {
  func.func @body(%arg0: i32, %arg1: i32, %arg2: memref<10000x128xf32, #tpu.memory_space<hbm>>, %arg3: memref<2x2x16x125x80xi32, #tpu.memory_space<hbm>>, %arg4: memref<80x128xf32, #tpu.memory_space<hbm>>, %arg5: memref<2x10240x128xf32, #tpu.memory_space<hbm>>, %arg6: memref<10240x128xf32, #tpu.memory_space<vmem_shared>>, %arg7: memref<125x80xi32, #tpu.memory_space<vmem>>, %arg8: memref<125x80xi32, #tpu.memory_space<vmem>>, %arg9: memref<80x128xf32, #tpu.memory_space<vmem>>, %arg10: memref<!tpu.dma_semaphore, #tpu.memory_space<semaphore_mem>>) attributes {dimension_semantics = [#tpu.dimension_semantics<core_parallel>, #tpu.dimension_semantics<subcore_parallel>], iteration_bounds = array<i64: 2, 16>, scalar_prefetch = 0 : i64, scratch_operands = 5 : i64, tpu.core_type = #tpu.core_type<sc_vector_subcore>, window_params = [{transform_indices = #map}, {transform_indices = #map1}, {transform_indices = #map}, {transform_indices = #map2}]} {
    %mul3A = arith.constant 640 : i32
    %mul3A_0 = arith.muli %arg1, %mul3A : i32
    %multiple_of3A = tpu.assume_multiple %mul3A_0, 8 : i32
    "tpu.region"() ({
      %run_scoped3A_55 = tpu.sem_alloc : memref<!tpu.dma_semaphore, #tpu.memory_space<semaphore_mem>>
      tpu.enqueue_dma source(%arg4 : memref<80x128xf32, #tpu.memory_space<hbm>>) target(%arg9 : memref<80x128xf32, #tpu.memory_space<vmem>>) target_semaphore(%run_scoped3A_55 : memref<!tpu.dma_semaphore, #tpu.memory_space<semaphore_mem>>)
      tpu.wait_dma2 semaphore(%run_scoped3A_55 : memref<!tpu.dma_semaphore, #tpu.memory_space<semaphore_mem>>) src(%arg4 : memref<80x128xf32, #tpu.memory_space<hbm>>) dst(%arg9 : memref<80x128xf32, #tpu.memory_space<vmem>>)
      tpu.yield
    }) : () -> ()
    %add3A = arith.constant 0 : i32
    %add3A_1 = arith.addi %multiple_of3A, %add3A : i32
    "tpu.region"() ({
      %run_scoped3A_55 = tpu.sem_alloc : memref<!tpu.dma_semaphore, #tpu.memory_space<semaphore_mem>>
      %dma_start3A = arith.constant 0 : i32
      %dma_start3A_56 = tpu.memref_slice %arg6[%add3A_1, %dma_start3A] : memref<10240x128xf32, #tpu.memory_space<vmem_shared>> -> memref<80x128xf32, #tpu.memory_space<vmem_shared>>
      %dma_start3A_57 = arith.constant 0 : i32
      %dma_start3A_58 = tpu.memref_slice %arg6[%add3A_1, %dma_start3A_57] : memref<10240x128xf32, #tpu.memory_space<vmem_shared>> -> memref<80x128xf32, #tpu.memory_space<vmem_shared>>
      tpu.enqueue_dma source(%arg9 : memref<80x128xf32, #tpu.memory_space<vmem>>) target(%dma_start3A_58 : memref<80x128xf32, #tpu.memory_space<vmem_shared>>) target_semaphore(%run_scoped3A_55 : memref<!tpu.dma_semaphore, #tpu.memory_space<semaphore_mem>>)
      %dma_wait3A = arith.constant 0 : i32
      %dma_wait3A_59 = tpu.memref_slice %arg6[%add3A_1, %dma_wait3A] : memref<10240x128xf32, #tpu.memory_space<vmem_shared>> -> memref<80x128xf32, #tpu.memory_space<vmem_shared>>
      %dma_wait3A_60 = arith.constant 0 : i32
      %dma_wait3A_61 = tpu.memref_slice %arg6[%add3A_1, %dma_wait3A_60] : memref<10240x128xf32, #tpu.memory_space<vmem_shared>> -> memref<80x128xf32, #tpu.memory_space<vmem_shared>>
      tpu.wait_dma2 semaphore(%run_scoped3A_55 : memref<!tpu.dma_semaphore, #tpu.memory_space<semaphore_mem>>) src(%arg9 : memref<80x128xf32, #tpu.memory_space<vmem>>) dst(%dma_wait3A_61 : memref<80x128xf32, #tpu.memory_space<vmem_shared>>)
      tpu.yield
    }) : () -> ()
    %add3A_2 = arith.constant 80 : i32
    %add3A_3 = arith.addi %multiple_of3A, %add3A_2 : i32
    "tpu.region"() ({
      %run_scoped3A_55 = tpu.sem_alloc : memref<!tpu.dma_semaphore, #tpu.memory_space<semaphore_mem>>
      %dma_start3A = arith.constant 0 : i32
      %dma_start3A_56 = tpu.memref_slice %arg6[%add3A_3, %dma_start3A] : memref<10240x128xf32, #tpu.memory_space<vmem_shared>> -> memref<80x128xf32, #tpu.memory_space<vmem_shared>>
      %dma_start3A_57 = arith.constant 0 : i32
      %dma_start3A_58 = tpu.memref_slice %arg6[%add3A_3, %dma_start3A_57] : memref<10240x128xf32, #tpu.memory_space<vmem_shared>> -> memref<80x128xf32, #tpu.memory_space<vmem_shared>>
      tpu.enqueue_dma source(%arg9 : memref<80x128xf32, #tpu.memory_space<vmem>>) target(%dma_start3A_58 : memref<80x128xf32, #tpu.memory_space<vmem_shared>>) target_semaphore(%run_scoped3A_55 : memref<!tpu.dma_semaphore, #tpu.memory_space<semaphore_mem>>)
      %dma_wait3A = arith.constant 0 : i32
      %dma_wait3A_59 = tpu.memref_slice %arg6[%add3A_3, %dma_wait3A] : memref<10240x128xf32, #tpu.memory_space<vmem_shared>> -> memref<80x128xf32, #tpu.memory_space<vmem_shared>>
      %dma_wait3A_60 = arith.constant 0 : i32
      %dma_wait3A_61 = tpu.memref_slice %arg6[%add3A_3, %dma_wait3A_60] : memref<10240x128xf32, #tpu.memory_space<vmem_shared>> -> memref<80x128xf32, #tpu.memory_space<vmem_shared>>
      tpu.wait_dma2 semaphore(%run_scoped3A_55 : memref<!tpu.dma_semaphore, #tpu.memory_space<semaphore_mem>>) src(%arg9 : memref<80x128xf32, #tpu.memory_space<vmem>>) dst(%dma_wait3A_61 : memref<80x128xf32, #tpu.memory_space<vmem_shared>>)
      tpu.yield
    }) : () -> ()
    %add3A_4 = arith.constant 160 : i32
    %add3A_5 = arith.addi %multiple_of3A, %add3A_4 : i32
    "tpu.region"() ({
      %run_scoped3A_55 = tpu.sem_alloc : memref<!tpu.dma_semaphore, #tpu.memory_space<semaphore_mem>>
      %dma_start3A = arith.constant 0 : i32
      %dma_start3A_56 = tpu.memref_slice %arg6[%add3A_5, %dma_start3A] : memref<10240x128xf32, #tpu.memory_space<vmem_shared>> -> memref<80x128xf32, #tpu.memory_space<vmem_shared>>
      %dma_start3A_57 = arith.constant 0 : i32
      %dma_start3A_58 = tpu.memref_slice %arg6[%add3A_5, %dma_start3A_57] : memref<10240x128xf32, #tpu.memory_space<vmem_shared>> -> memref<80x128xf32, #tpu.memory_space<vmem_shared>>
      tpu.enqueue_dma source(%arg9 : memref<80x128xf32, #tpu.memory_space<vmem>>) target(%dma_start3A_58 : memref<80x128xf32, #tpu.memory_space<vmem_shared>>) target_semaphore(%run_scoped3A_55 : memref<!tpu.dma_semaphore, #tpu.memory_space<semaphore_mem>>)
      %dma_wait3A = arith.constant 0 : i32
      %dma_wait3A_59 = tpu.memref_slice %arg6[%add3A_5, %dma_wait3A] : memref<10240x128xf32, #tpu.memory_space<vmem_shared>> -> memref<80x128xf32, #tpu.memory_space<vmem_shared>>
      %dma_wait3A_60 = arith.constant 0 : i32
      %dma_wait3A_61 = tpu.memref_slice %arg6[%add3A_5, %dma_wait3A_60] : memref<10240x128xf32, #tpu.memory_space<vmem_shared>> -> memref<80x128xf32, #tpu.memory_space<vmem_shared>>
      tpu.wait_dma2 semaphore(%run_scoped3A_55 : memref<!tpu.dma_semaphore, #tpu.memory_space<semaphore_mem>>) src(%arg9 : memref<80x128xf32, #tpu.memory_space<vmem>>) dst(%dma_wait3A_61 : memref<80x128xf32, #tpu.memory_space<vmem_shared>>)
      tpu.yield
    }) : () -> ()
    %add3A_6 = arith.constant 240 : i32
    %add3A_7 = arith.addi %multiple_of3A, %add3A_6 : i32
    "tpu.region"() ({
      %run_scoped3A_55 = tpu.sem_alloc : memref<!tpu.dma_semaphore, #tpu.memory_space<semaphore_mem>>
      %dma_start3A = arith.constant 0 : i32
      %dma_start3A_56 = tpu.memref_slice %arg6[%add3A_7, %dma_start3A] : memref<10240x128xf32, #tpu.memory_space<vmem_shared>> -> memref<80x128xf32, #tpu.memory_space<vmem_shared>>
      %dma_start3A_57 = arith.constant 0 : i32
      %dma_start3A_58 = tpu.memref_slice %arg6[%add3A_7, %dma_start3A_57] : memref<10240x128xf32, #tpu.memory_space<vmem_shared>> -> memref<80x128xf32, #tpu.memory_space<vmem_shared>>
      tpu.enqueue_dma source(%arg9 : memref<80x128xf32, #tpu.memory_space<vmem>>) target(%dma_start3A_58 : memref<80x128xf32, #tpu.memory_space<vmem_shared>>) target_semaphore(%run_scoped3A_55 : memref<!tpu.dma_semaphore, #tpu.memory_space<semaphore_mem>>)
      %dma_wait3A = arith.constant 0 : i32
      %dma_wait3A_59 = tpu.memref_slice %arg6[%add3A_7, %dma_wait3A] : memref<10240x128xf32, #tpu.memory_space<vmem_shared>> -> memref<80x128xf32, #tpu.memory_space<vmem_shared>>
      %dma_wait3A_60 = arith.constant 0 : i32
      %dma_wait3A_61 = tpu.memref_slice %arg6[%add3A_7, %dma_wait3A_60] : memref<10240x128xf32, #tpu.memory_space<vmem_shared>> -> memref<80x128xf32, #tpu.memory_space<vmem_shared>>
      tpu.wait_dma2 semaphore(%run_scoped3A_55 : memref<!tpu.dma_semaphore, #tpu.memory_space<semaphore_mem>>) src(%arg9 : memref<80x128xf32, #tpu.memory_space<vmem>>) dst(%dma_wait3A_61 : memref<80x128xf32, #tpu.memory_space<vmem_shared>>)
      tpu.yield
    }) : () -> ()
    %add3A_8 = arith.constant 320 : i32
    %add3A_9 = arith.addi %multiple_of3A, %add3A_8 : i32
    "tpu.region"() ({
      %run_scoped3A_55 = tpu.sem_alloc : memref<!tpu.dma_semaphore, #tpu.memory_space<semaphore_mem>>
      %dma_start3A = arith.constant 0 : i32
      %dma_start3A_56 = tpu.memref_slice %arg6[%add3A_9, %dma_start3A] : memref<10240x128xf32, #tpu.memory_space<vmem_shared>> -> memref<80x128xf32, #tpu.memory_space<vmem_shared>>
      %dma_start3A_57 = arith.constant 0 : i32
      %dma_start3A_58 = tpu.memref_slice %arg6[%add3A_9, %dma_start3A_57] : memref<10240x128xf32, #tpu.memory_space<vmem_shared>> -> memref<80x128xf32, #tpu.memory_space<vmem_shared>>
      tpu.enqueue_dma source(%arg9 : memref<80x128xf32, #tpu.memory_space<vmem>>) target(%dma_start3A_58 : memref<80x128xf32, #tpu.memory_space<vmem_shared>>) target_semaphore(%run_scoped3A_55 : memref<!tpu.dma_semaphore, #tpu.memory_space<semaphore_mem>>)
      %dma_wait3A = arith.constant 0 : i32
      %dma_wait3A_59 = tpu.memref_slice %arg6[%add3A_9, %dma_wait3A] : memref<10240x128xf32, #tpu.memory_space<vmem_shared>> -> memref<80x128xf32, #tpu.memory_space<vmem_shared>>
      %dma_wait3A_60 = arith.constant 0 : i32
      %dma_wait3A_61 = tpu.memref_slice %arg6[%add3A_9, %dma_wait3A_60] : memref<10240x128xf32, #tpu.memory_space<vmem_shared>> -> memref<80x128xf32, #tpu.memory_space<vmem_shared>>
      tpu.wait_dma2 semaphore(%run_scoped3A_55 : memref<!tpu.dma_semaphore, #tpu.memory_space<semaphore_mem>>) src(%arg9 : memref<80x128xf32, #tpu.memory_space<vmem>>) dst(%dma_wait3A_61 : memref<80x128xf32, #tpu.memory_space<vmem_shared>>)
      tpu.yield
    }) : () -> ()
    %add3A_10 = arith.constant 400 : i32
    %add3A_11 = arith.addi %multiple_of3A, %add3A_10 : i32
    "tpu.region"() ({
      %run_scoped3A_55 = tpu.sem_alloc : memref<!tpu.dma_semaphore, #tpu.memory_space<semaphore_mem>>
      %dma_start3A = arith.constant 0 : i32
      %dma_start3A_56 = tpu.memref_slice %arg6[%add3A_11, %dma_start3A] : memref<10240x128xf32, #tpu.memory_space<vmem_shared>> -> memref<80x128xf32, #tpu.memory_space<vmem_shared>>
      %dma_start3A_57 = arith.constant 0 : i32
      %dma_start3A_58 = tpu.memref_slice %arg6[%add3A_11, %dma_start3A_57] : memref<10240x128xf32, #tpu.memory_space<vmem_shared>> -> memref<80x128xf32, #tpu.memory_space<vmem_shared>>
      tpu.enqueue_dma source(%arg9 : memref<80x128xf32, #tpu.memory_space<vmem>>) target(%dma_start3A_58 : memref<80x128xf32, #tpu.memory_space<vmem_shared>>) target_semaphore(%run_scoped3A_55 : memref<!tpu.dma_semaphore, #tpu.memory_space<semaphore_mem>>)
      %dma_wait3A = arith.constant 0 : i32
      %dma_wait3A_59 = tpu.memref_slice %arg6[%add3A_11, %dma_wait3A] : memref<10240x128xf32, #tpu.memory_space<vmem_shared>> -> memref<80x128xf32, #tpu.memory_space<vmem_shared>>
      %dma_wait3A_60 = arith.constant 0 : i32
      %dma_wait3A_61 = tpu.memref_slice %arg6[%add3A_11, %dma_wait3A_60] : memref<10240x128xf32, #tpu.memory_space<vmem_shared>> -> memref<80x128xf32, #tpu.memory_space<vmem_shared>>
      tpu.wait_dma2 semaphore(%run_scoped3A_55 : memref<!tpu.dma_semaphore, #tpu.memory_space<semaphore_mem>>) src(%arg9 : memref<80x128xf32, #tpu.memory_space<vmem>>) dst(%dma_wait3A_61 : memref<80x128xf32, #tpu.memory_space<vmem_shared>>)
      tpu.yield
    }) : () -> ()
    %add3A_12 = arith.constant 480 : i32
    %add3A_13 = arith.addi %multiple_of3A, %add3A_12 : i32
    "tpu.region"() ({
      %run_scoped3A_55 = tpu.sem_alloc : memref<!tpu.dma_semaphore, #tpu.memory_space<semaphore_mem>>
      %dma_start3A = arith.constant 0 : i32
      %dma_start3A_56 = tpu.memref_slice %arg6[%add3A_13, %dma_start3A] : memref<10240x128xf32, #tpu.memory_space<vmem_shared>> -> memref<80x128xf32, #tpu.memory_space<vmem_shared>>
      %dma_start3A_57 = arith.constant 0 : i32
      %dma_start3A_58 = tpu.memref_slice %arg6[%add3A_13, %dma_start3A_57] : memref<10240x128xf32, #tpu.memory_space<vmem_shared>> -> memref<80x128xf32, #tpu.memory_space<vmem_shared>>
      tpu.enqueue_dma source(%arg9 : memref<80x128xf32, #tpu.memory_space<vmem>>) target(%dma_start3A_58 : memref<80x128xf32, #tpu.memory_space<vmem_shared>>) target_semaphore(%run_scoped3A_55 : memref<!tpu.dma_semaphore, #tpu.memory_space<semaphore_mem>>)
      %dma_wait3A = arith.constant 0 : i32
      %dma_wait3A_59 = tpu.memref_slice %arg6[%add3A_13, %dma_wait3A] : memref<10240x128xf32, #tpu.memory_space<vmem_shared>> -> memref<80x128xf32, #tpu.memory_space<vmem_shared>>
      %dma_wait3A_60 = arith.constant 0 : i32
      %dma_wait3A_61 = tpu.memref_slice %arg6[%add3A_13, %dma_wait3A_60] : memref<10240x128xf32, #tpu.memory_space<vmem_shared>> -> memref<80x128xf32, #tpu.memory_space<vmem_shared>>
      tpu.wait_dma2 semaphore(%run_scoped3A_55 : memref<!tpu.dma_semaphore, #tpu.memory_space<semaphore_mem>>) src(%arg9 : memref<80x128xf32, #tpu.memory_space<vmem>>) dst(%dma_wait3A_61 : memref<80x128xf32, #tpu.memory_space<vmem_shared>>)
      tpu.yield
    }) : () -> ()
    %add3A_14 = arith.constant 560 : i32
    %add3A_15 = arith.addi %multiple_of3A, %add3A_14 : i32
    "tpu.region"() ({
      %run_scoped3A_55 = tpu.sem_alloc : memref<!tpu.dma_semaphore, #tpu.memory_space<semaphore_mem>>
      %dma_start3A = arith.constant 0 : i32
      %dma_start3A_56 = tpu.memref_slice %arg6[%add3A_15, %dma_start3A] : memref<10240x128xf32, #tpu.memory_space<vmem_shared>> -> memref<80x128xf32, #tpu.memory_space<vmem_shared>>
      %dma_start3A_57 = arith.constant 0 : i32
      %dma_start3A_58 = tpu.memref_slice %arg6[%add3A_15, %dma_start3A_57] : memref<10240x128xf32, #tpu.memory_space<vmem_shared>> -> memref<80x128xf32, #tpu.memory_space<vmem_shared>>
      tpu.enqueue_dma source(%arg9 : memref<80x128xf32, #tpu.memory_space<vmem>>) target(%dma_start3A_58 : memref<80x128xf32, #tpu.memory_space<vmem_shared>>) target_semaphore(%run_scoped3A_55 : memref<!tpu.dma_semaphore, #tpu.memory_space<semaphore_mem>>)
      %dma_wait3A = arith.constant 0 : i32
      %dma_wait3A_59 = tpu.memref_slice %arg6[%add3A_15, %dma_wait3A] : memref<10240x128xf32, #tpu.memory_space<vmem_shared>> -> memref<80x128xf32, #tpu.memory_space<vmem_shared>>
      %dma_wait3A_60 = arith.constant 0 : i32
      %dma_wait3A_61 = tpu.memref_slice %arg6[%add3A_15, %dma_wait3A_60] : memref<10240x128xf32, #tpu.memory_space<vmem_shared>> -> memref<80x128xf32, #tpu.memory_space<vmem_shared>>
      tpu.wait_dma2 semaphore(%run_scoped3A_55 : memref<!tpu.dma_semaphore, #tpu.memory_space<semaphore_mem>>) src(%arg9 : memref<80x128xf32, #tpu.memory_space<vmem>>) dst(%dma_wait3A_61 : memref<80x128xf32, #tpu.memory_space<vmem_shared>>)
      tpu.yield
    }) : () -> ()
    %run_scoped3A = arith.constant 0 : i32
    "tpu.region"() ({
      %run_scoped3A_55 = tpu.sem_alloc : memref<!tpu.dma_semaphore, #tpu.memory_space<semaphore_mem>>
      %dma_start3A = arith.constant 0 : i32
      %dma_start3A_56 = arith.constant 0 : i32
      %dma_start3A_57 = tpu.memref_slice %arg3[%run_scoped3A, %arg0, %arg1, %dma_start3A, %dma_start3A_56] : memref<2x2x16x125x80xi32, #tpu.memory_space<hbm>> -> memref<1x1x1x125x80xi32, #tpu.memory_space<hbm>>
      %dma_start3A_58 = tpu.memref_squeeze %dma_start3A_57 : memref<1x1x1x125x80xi32, #tpu.memory_space<hbm>> -> memref<125x80xi32, #tpu.memory_space<hbm>>
      %dma_start3A_59 = arith.constant 0 : i32
      %dma_start3A_60 = arith.constant 0 : i32
      %dma_start3A_61 = tpu.memref_slice %arg3[%run_scoped3A, %arg0, %arg1, %dma_start3A_59, %dma_start3A_60] : memref<2x2x16x125x80xi32, #tpu.memory_space<hbm>> -> memref<1x1x1x125x80xi32, #tpu.memory_space<hbm>>
      %dma_start3A_62 = tpu.memref_squeeze %dma_start3A_61 : memref<1x1x1x125x80xi32, #tpu.memory_space<hbm>> -> memref<125x80xi32, #tpu.memory_space<hbm>>
      tpu.enqueue_dma source(%dma_start3A_62 : memref<125x80xi32, #tpu.memory_space<hbm>>) target(%arg7 : memref<125x80xi32, #tpu.memory_space<vmem>>) target_semaphore(%run_scoped3A_55 : memref<!tpu.dma_semaphore, #tpu.memory_space<semaphore_mem>>)
      %dma_wait3A = arith.constant 0 : i32
      %dma_wait3A_63 = arith.constant 0 : i32
      %dma_wait3A_64 = tpu.memref_slice %arg3[%run_scoped3A, %arg0, %arg1, %dma_wait3A, %dma_wait3A_63] : memref<2x2x16x125x80xi32, #tpu.memory_space<hbm>> -> memref<1x1x1x125x80xi32, #tpu.memory_space<hbm>>
      %dma_wait3A_65 = tpu.memref_squeeze %dma_wait3A_64 : memref<1x1x1x125x80xi32, #tpu.memory_space<hbm>> -> memref<125x80xi32, #tpu.memory_space<hbm>>
      %dma_wait3A_66 = arith.constant 0 : i32
      %dma_wait3A_67 = arith.constant 0 : i32
      %dma_wait3A_68 = tpu.memref_slice %arg3[%run_scoped3A, %arg0, %arg1, %dma_wait3A_66, %dma_wait3A_67] : memref<2x2x16x125x80xi32, #tpu.memory_space<hbm>> -> memref<1x1x1x125x80xi32, #tpu.memory_space<hbm>>
      %dma_wait3A_69 = tpu.memref_squeeze %dma_wait3A_68 : memref<1x1x1x125x80xi32, #tpu.memory_space<hbm>> -> memref<125x80xi32, #tpu.memory_space<hbm>>
      tpu.wait_dma2 semaphore(%run_scoped3A_55 : memref<!tpu.dma_semaphore, #tpu.memory_space<semaphore_mem>>) src(%dma_wait3A_69 : memref<125x80xi32, #tpu.memory_space<hbm>>) dst(%arg7 : memref<125x80xi32, #tpu.memory_space<vmem>>)
      tpu.yield
    }) : () -> ()
    %run_scoped3A_16 = arith.constant 1 : i32
    "tpu.region"() ({
      %run_scoped3A_55 = tpu.sem_alloc : memref<!tpu.dma_semaphore, #tpu.memory_space<semaphore_mem>>
      %dma_start3A = arith.constant 0 : i32
      %dma_start3A_56 = arith.constant 0 : i32
      %dma_start3A_57 = tpu.memref_slice %arg3[%run_scoped3A_16, %arg0, %arg1, %dma_start3A, %dma_start3A_56] : memref<2x2x16x125x80xi32, #tpu.memory_space<hbm>> -> memref<1x1x1x125x80xi32, #tpu.memory_space<hbm>>
      %dma_start3A_58 = tpu.memref_squeeze %dma_start3A_57 : memref<1x1x1x125x80xi32, #tpu.memory_space<hbm>> -> memref<125x80xi32, #tpu.memory_space<hbm>>
      %dma_start3A_59 = arith.constant 0 : i32
      %dma_start3A_60 = arith.constant 0 : i32
      %dma_start3A_61 = tpu.memref_slice %arg3[%run_scoped3A_16, %arg0, %arg1, %dma_start3A_59, %dma_start3A_60] : memref<2x2x16x125x80xi32, #tpu.memory_space<hbm>> -> memref<1x1x1x125x80xi32, #tpu.memory_space<hbm>>
      %dma_start3A_62 = tpu.memref_squeeze %dma_start3A_61 : memref<1x1x1x125x80xi32, #tpu.memory_space<hbm>> -> memref<125x80xi32, #tpu.memory_space<hbm>>
      tpu.enqueue_dma source(%dma_start3A_62 : memref<125x80xi32, #tpu.memory_space<hbm>>) target(%arg8 : memref<125x80xi32, #tpu.memory_space<vmem>>) target_semaphore(%run_scoped3A_55 : memref<!tpu.dma_semaphore, #tpu.memory_space<semaphore_mem>>)
      %dma_wait3A = arith.constant 0 : i32
      %dma_wait3A_63 = arith.constant 0 : i32
      %dma_wait3A_64 = tpu.memref_slice %arg3[%run_scoped3A_16, %arg0, %arg1, %dma_wait3A, %dma_wait3A_63] : memref<2x2x16x125x80xi32, #tpu.memory_space<hbm>> -> memref<1x1x1x125x80xi32, #tpu.memory_space<hbm>>
      %dma_wait3A_65 = tpu.memref_squeeze %dma_wait3A_64 : memref<1x1x1x125x80xi32, #tpu.memory_space<hbm>> -> memref<125x80xi32, #tpu.memory_space<hbm>>
      %dma_wait3A_66 = arith.constant 0 : i32
      %dma_wait3A_67 = arith.constant 0 : i32
      %dma_wait3A_68 = tpu.memref_slice %arg3[%run_scoped3A_16, %arg0, %arg1, %dma_wait3A_66, %dma_wait3A_67] : memref<2x2x16x125x80xi32, #tpu.memory_space<hbm>> -> memref<1x1x1x125x80xi32, #tpu.memory_space<hbm>>
      %dma_wait3A_69 = tpu.memref_squeeze %dma_wait3A_68 : memref<1x1x1x125x80xi32, #tpu.memory_space<hbm>> -> memref<125x80xi32, #tpu.memory_space<hbm>>
      tpu.wait_dma2 semaphore(%run_scoped3A_55 : memref<!tpu.dma_semaphore, #tpu.memory_space<semaphore_mem>>) src(%dma_wait3A_69 : memref<125x80xi32, #tpu.memory_space<hbm>>) dst(%arg8 : memref<125x80xi32, #tpu.memory_space<vmem>>)
      tpu.yield
    }) : () -> ()
    %barrier3A = arith.constant 0 : index
    tpu.barrier barrier_id(%barrier3A)
    %scan3A = arith.constant 0 : i32
    %scan3A_17 = arith.constant 0 : i32
    %scan3A_18 = arith.constant 125 : i32
    %scan3A_19 = arith.addi %scan3A_17, %scan3A_18 : i32
    %scan3A_20 = arith.constant 1 : i32
    scf.for %scan3A_55 = %scan3A_17 to %scan3A_19 step %scan3A_20  : i32 {
      %dma_start3A = arith.constant 0 : i32
      %dma_start3A_56 = tpu.memref_slice %arg7[%scan3A_55, %dma_start3A] : memref<125x80xi32, #tpu.memory_space<vmem>> -> memref<1x80xi32, #tpu.memory_space<vmem>>
      %dma_start3A_57 = tpu.memref_squeeze %dma_start3A_56 : memref<1x80xi32, #tpu.memory_space<vmem>> -> memref<80xi32, #tpu.memory_space<vmem>>
      %dma_start3A_58 = arith.constant 0 : i32
      %dma_start3A_59 = arith.constant 0 : i32
      %dma_start3A_60 = tpu.memref_slice %arg2[%dma_start3A_58, %dma_start3A_59] : memref<10000x128xf32, #tpu.memory_space<hbm>> -> memref<10000x128xf32, #tpu.memory_space<hbm>>
      tpu.enqueue_indirect_dma source(%dma_start3A_60 : memref<10000x128xf32, #tpu.memory_space<hbm>>) target(%arg9 : memref<80x128xf32, #tpu.memory_space<vmem>>) offsets(%dma_start3A_57 : memref<80xi32, #tpu.memory_space<vmem>>) semaphore(%arg10 : memref<!tpu.dma_semaphore, #tpu.memory_space<semaphore_mem>>)
      %dma_wait3A = arith.constant 0 : i32
      %dma_wait3A_61 = tpu.memref_slice %arg7[%scan3A_55, %dma_wait3A] : memref<125x80xi32, #tpu.memory_space<vmem>> -> memref<1x80xi32, #tpu.memory_space<vmem>>
      %dma_wait3A_62 = tpu.memref_squeeze %dma_wait3A_61 : memref<1x80xi32, #tpu.memory_space<vmem>> -> memref<80xi32, #tpu.memory_space<vmem>>
      %dma_wait3A_63 = arith.constant 0 : i32
      %dma_wait3A_64 = arith.constant 0 : i32
      %dma_wait3A_65 = tpu.memref_slice %arg2[%dma_wait3A_63, %dma_wait3A_64] : memref<10000x128xf32, #tpu.memory_space<hbm>> -> memref<10000x128xf32, #tpu.memory_space<hbm>>
      tpu.wait_indirect_dma semaphore(%arg10 : memref<!tpu.dma_semaphore, #tpu.memory_space<semaphore_mem>>) src(%dma_wait3A_65 : memref<10000x128xf32, #tpu.memory_space<hbm>>) dst(%arg9 : memref<80x128xf32, #tpu.memory_space<vmem>>)
      "tpu.region"() ({
        %run_scoped3A_66 = tpu.sem_alloc : memref<!tpu.dma_semaphore, #tpu.memory_space<semaphore_mem>>
        %dma_start3A_67 = arith.constant 0 : i32
        %dma_start3A_68 = tpu.memref_slice %arg8[%scan3A_55, %dma_start3A_67] : memref<125x80xi32, #tpu.memory_space<vmem>> -> memref<1x80xi32, #tpu.memory_space<vmem>>
        %dma_start3A_69 = tpu.memref_squeeze %dma_start3A_68 : memref<1x80xi32, #tpu.memory_space<vmem>> -> memref<80xi32, #tpu.memory_space<vmem>>
        %dma_start3A_70 = arith.constant 0 : i32
        %dma_start3A_71 = arith.constant 0 : i32
        %dma_start3A_72 = tpu.memref_slice %arg6[%dma_start3A_70, %dma_start3A_71] : memref<10240x128xf32, #tpu.memory_space<vmem_shared>> -> memref<10240x128xf32, #tpu.memory_space<vmem_shared>>
        tpu.enqueue_indirect_dma source(%arg9 : memref<80x128xf32, #tpu.memory_space<vmem>>) target(%dma_start3A_72 : memref<10240x128xf32, #tpu.memory_space<vmem_shared>>) offsets(%dma_start3A_69 : memref<80xi32, #tpu.memory_space<vmem>>) semaphore(%run_scoped3A_66 : memref<!tpu.dma_semaphore, #tpu.memory_space<semaphore_mem>>) {add = true}
        %dma_wait3A_73 = arith.constant 0 : i32
        %dma_wait3A_74 = tpu.memref_slice %arg8[%scan3A_55, %dma_wait3A_73] : memref<125x80xi32, #tpu.memory_space<vmem>> -> memref<1x80xi32, #tpu.memory_space<vmem>>
        %dma_wait3A_75 = tpu.memref_squeeze %dma_wait3A_74 : memref<1x80xi32, #tpu.memory_space<vmem>> -> memref<80xi32, #tpu.memory_space<vmem>>
        %dma_wait3A_76 = arith.constant 0 : i32
        %dma_wait3A_77 = arith.constant 0 : i32
        %dma_wait3A_78 = tpu.memref_slice %arg6[%dma_wait3A_76, %dma_wait3A_77] : memref<10240x128xf32, #tpu.memory_space<vmem_shared>> -> memref<10240x128xf32, #tpu.memory_space<vmem_shared>>
        tpu.wait_indirect_dma semaphore(%run_scoped3A_66 : memref<!tpu.dma_semaphore, #tpu.memory_space<semaphore_mem>>) src(%arg9 : memref<80x128xf32, #tpu.memory_space<vmem>>) dst(%dma_wait3A_78 : memref<10240x128xf32, #tpu.memory_space<vmem_shared>>)
        tpu.yield
      }) : () -> ()
    }
    %scan3A_21 = arith.constant 125 : i32
    %barrier3A_22 = arith.constant 0 : index
    tpu.barrier barrier_id(%barrier3A_22)
    %add3A_23 = arith.constant 0 : i32
    %add3A_24 = arith.addi %multiple_of3A, %add3A_23 : i32
    "tpu.region"() ({
      %run_scoped3A_55 = tpu.sem_alloc : memref<!tpu.dma_semaphore, #tpu.memory_space<semaphore_mem>>
      %dma_start3A = arith.constant 0 : i32
      %dma_start3A_56 = tpu.memref_slice %arg6[%add3A_24, %dma_start3A] : memref<10240x128xf32, #tpu.memory_space<vmem_shared>> -> memref<80x128xf32, #tpu.memory_space<vmem_shared>>
      %dma_start3A_57 = arith.constant 0 : i32
      %dma_start3A_58 = tpu.memref_slice %arg6[%add3A_24, %dma_start3A_57] : memref<10240x128xf32, #tpu.memory_space<vmem_shared>> -> memref<80x128xf32, #tpu.memory_space<vmem_shared>>
      tpu.enqueue_dma source(%dma_start3A_58 : memref<80x128xf32, #tpu.memory_space<vmem_shared>>) target(%arg9 : memref<80x128xf32, #tpu.memory_space<vmem>>) target_semaphore(%run_scoped3A_55 : memref<!tpu.dma_semaphore, #tpu.memory_space<semaphore_mem>>)
      %dma_wait3A = arith.constant 0 : i32
      %dma_wait3A_59 = tpu.memref_slice %arg6[%add3A_24, %dma_wait3A] : memref<10240x128xf32, #tpu.memory_space<vmem_shared>> -> memref<80x128xf32, #tpu.memory_space<vmem_shared>>
      %dma_wait3A_60 = arith.constant 0 : i32
      %dma_wait3A_61 = tpu.memref_slice %arg6[%add3A_24, %dma_wait3A_60] : memref<10240x128xf32, #tpu.memory_space<vmem_shared>> -> memref<80x128xf32, #tpu.memory_space<vmem_shared>>
      tpu.wait_dma2 semaphore(%run_scoped3A_55 : memref<!tpu.dma_semaphore, #tpu.memory_space<semaphore_mem>>) src(%dma_wait3A_61 : memref<80x128xf32, #tpu.memory_space<vmem_shared>>) dst(%arg9 : memref<80x128xf32, #tpu.memory_space<vmem>>)
      tpu.yield
    }) : () -> ()
    %add3A_25 = arith.constant 0 : i32
    %add3A_26 = arith.addi %multiple_of3A, %add3A_25 : i32
    "tpu.region"() ({
      %run_scoped3A_55 = tpu.sem_alloc : memref<!tpu.dma_semaphore, #tpu.memory_space<semaphore_mem>>
      %dma_start3A = arith.constant 0 : i32
      %dma_start3A_56 = tpu.memref_slice %arg5[%arg0, %add3A_26, %dma_start3A] : memref<2x10240x128xf32, #tpu.memory_space<hbm>> -> memref<1x80x128xf32, #tpu.memory_space<hbm>>
      %dma_start3A_57 = tpu.memref_squeeze %dma_start3A_56 : memref<1x80x128xf32, #tpu.memory_space<hbm>> -> memref<80x128xf32, #tpu.memory_space<hbm>>
      %dma_start3A_58 = arith.constant 0 : i32
      %dma_start3A_59 = tpu.memref_slice %arg5[%arg0, %add3A_26, %dma_start3A_58] : memref<2x10240x128xf32, #tpu.memory_space<hbm>> -> memref<1x80x128xf32, #tpu.memory_space<hbm>>
      %dma_start3A_60 = tpu.memref_squeeze %dma_start3A_59 : memref<1x80x128xf32, #tpu.memory_space<hbm>> -> memref<80x128xf32, #tpu.memory_space<hbm>>
      tpu.enqueue_dma source(%arg9 : memref<80x128xf32, #tpu.memory_space<vmem>>) target(%dma_start3A_60 : memref<80x128xf32, #tpu.memory_space<hbm>>) target_semaphore(%run_scoped3A_55 : memref<!tpu.dma_semaphore, #tpu.memory_space<semaphore_mem>>)
      %dma_wait3A = arith.constant 0 : i32
      %dma_wait3A_61 = tpu.memref_slice %arg5[%arg0, %add3A_26, %dma_wait3A] : memref<2x10240x128xf32, #tpu.memory_space<hbm>> -> memref<1x80x128xf32, #tpu.memory_space<hbm>>
      %dma_wait3A_62 = tpu.memref_squeeze %dma_wait3A_61 : memref<1x80x128xf32, #tpu.memory_space<hbm>> -> memref<80x128xf32, #tpu.memory_space<hbm>>
      %dma_wait3A_63 = arith.constant 0 : i32
      %dma_wait3A_64 = tpu.memref_slice %arg5[%arg0, %add3A_26, %dma_wait3A_63] : memref<2x10240x128xf32, #tpu.memory_space<hbm>> -> memref<1x80x128xf32, #tpu.memory_space<hbm>>
      %dma_wait3A_65 = tpu.memref_squeeze %dma_wait3A_64 : memref<1x80x128xf32, #tpu.memory_space<hbm>> -> memref<80x128xf32, #tpu.memory_space<hbm>>
      tpu.wait_dma2 semaphore(%run_scoped3A_55 : memref<!tpu.dma_semaphore, #tpu.memory_space<semaphore_mem>>) src(%arg9 : memref<80x128xf32, #tpu.memory_space<vmem>>) dst(%dma_wait3A_65 : memref<80x128xf32, #tpu.memory_space<hbm>>)
      tpu.yield
    }) : () -> ()
    %add3A_27 = arith.constant 80 : i32
    %add3A_28 = arith.addi %multiple_of3A, %add3A_27 : i32
    "tpu.region"() ({
      %run_scoped3A_55 = tpu.sem_alloc : memref<!tpu.dma_semaphore, #tpu.memory_space<semaphore_mem>>
      %dma_start3A = arith.constant 0 : i32
      %dma_start3A_56 = tpu.memref_slice %arg6[%add3A_28, %dma_start3A] : memref<10240x128xf32, #tpu.memory_space<vmem_shared>> -> memref<80x128xf32, #tpu.memory_space<vmem_shared>>
      %dma_start3A_57 = arith.constant 0 : i32
      %dma_start3A_58 = tpu.memref_slice %arg6[%add3A_28, %dma_start3A_57] : memref<10240x128xf32, #tpu.memory_space<vmem_shared>> -> memref<80x128xf32, #tpu.memory_space<vmem_shared>>
      tpu.enqueue_dma source(%dma_start3A_58 : memref<80x128xf32, #tpu.memory_space<vmem_shared>>) target(%arg9 : memref<80x128xf32, #tpu.memory_space<vmem>>) target_semaphore(%run_scoped3A_55 : memref<!tpu.dma_semaphore, #tpu.memory_space<semaphore_mem>>)
      %dma_wait3A = arith.constant 0 : i32
      %dma_wait3A_59 = tpu.memref_slice %arg6[%add3A_28, %dma_wait3A] : memref<10240x128xf32, #tpu.memory_space<vmem_shared>> -> memref<80x128xf32, #tpu.memory_space<vmem_shared>>
      %dma_wait3A_60 = arith.constant 0 : i32
      %dma_wait3A_61 = tpu.memref_slice %arg6[%add3A_28, %dma_wait3A_60] : memref<10240x128xf32, #tpu.memory_space<vmem_shared>> -> memref<80x128xf32, #tpu.memory_space<vmem_shared>>
      tpu.wait_dma2 semaphore(%run_scoped3A_55 : memref<!tpu.dma_semaphore, #tpu.memory_space<semaphore_mem>>) src(%dma_wait3A_61 : memref<80x128xf32, #tpu.memory_space<vmem_shared>>) dst(%arg9 : memref<80x128xf32, #tpu.memory_space<vmem>>)
      tpu.yield
    }) : () -> ()
    %add3A_29 = arith.constant 80 : i32
    %add3A_30 = arith.addi %multiple_of3A, %add3A_29 : i32
    "tpu.region"() ({
      %run_scoped3A_55 = tpu.sem_alloc : memref<!tpu.dma_semaphore, #tpu.memory_space<semaphore_mem>>
      %dma_start3A = arith.constant 0 : i32
      %dma_start3A_56 = tpu.memref_slice %arg5[%arg0, %add3A_30, %dma_start3A] : memref<2x10240x128xf32, #tpu.memory_space<hbm>> -> memref<1x80x128xf32, #tpu.memory_space<hbm>>
      %dma_start3A_57 = tpu.memref_squeeze %dma_start3A_56 : memref<1x80x128xf32, #tpu.memory_space<hbm>> -> memref<80x128xf32, #tpu.memory_space<hbm>>
      %dma_start3A_58 = arith.constant 0 : i32
      %dma_start3A_59 = tpu.memref_slice %arg5[%arg0, %add3A_30, %dma_start3A_58] : memref<2x10240x128xf32, #tpu.memory_space<hbm>> -> memref<1x80x128xf32, #tpu.memory_space<hbm>>
      %dma_start3A_60 = tpu.memref_squeeze %dma_start3A_59 : memref<1x80x128xf32, #tpu.memory_space<hbm>> -> memref<80x128xf32, #tpu.memory_space<hbm>>
      tpu.enqueue_dma source(%arg9 : memref<80x128xf32, #tpu.memory_space<vmem>>) target(%dma_start3A_60 : memref<80x128xf32, #tpu.memory_space<hbm>>) target_semaphore(%run_scoped3A_55 : memref<!tpu.dma_semaphore, #tpu.memory_space<semaphore_mem>>)
      %dma_wait3A = arith.constant 0 : i32
      %dma_wait3A_61 = tpu.memref_slice %arg5[%arg0, %add3A_30, %dma_wait3A] : memref<2x10240x128xf32, #tpu.memory_space<hbm>> -> memref<1x80x128xf32, #tpu.memory_space<hbm>>
      %dma_wait3A_62 = tpu.memref_squeeze %dma_wait3A_61 : memref<1x80x128xf32, #tpu.memory_space<hbm>> -> memref<80x128xf32, #tpu.memory_space<hbm>>
      %dma_wait3A_63 = arith.constant 0 : i32
      %dma_wait3A_64 = tpu.memref_slice %arg5[%arg0, %add3A_30, %dma_wait3A_63] : memref<2x10240x128xf32, #tpu.memory_space<hbm>> -> memref<1x80x128xf32, #tpu.memory_space<hbm>>
      %dma_wait3A_65 = tpu.memref_squeeze %dma_wait3A_64 : memref<1x80x128xf32, #tpu.memory_space<hbm>> -> memref<80x128xf32, #tpu.memory_space<hbm>>
      tpu.wait_dma2 semaphore(%run_scoped3A_55 : memref<!tpu.dma_semaphore, #tpu.memory_space<semaphore_mem>>) src(%arg9 : memref<80x128xf32, #tpu.memory_space<vmem>>) dst(%dma_wait3A_65 : memref<80x128xf32, #tpu.memory_space<hbm>>)
      tpu.yield
    }) : () -> ()
    %add3A_31 = arith.constant 160 : i32
    %add3A_32 = arith.addi %multiple_of3A, %add3A_31 : i32
    "tpu.region"() ({
      %run_scoped3A_55 = tpu.sem_alloc : memref<!tpu.dma_semaphore, #tpu.memory_space<semaphore_mem>>
      %dma_start3A = arith.constant 0 : i32
      %dma_start3A_56 = tpu.memref_slice %arg6[%add3A_32, %dma_start3A] : memref<10240x128xf32, #tpu.memory_space<vmem_shared>> -> memref<80x128xf32, #tpu.memory_space<vmem_shared>>
      %dma_start3A_57 = arith.constant 0 : i32
      %dma_start3A_58 = tpu.memref_slice %arg6[%add3A_32, %dma_start3A_57] : memref<10240x128xf32, #tpu.memory_space<vmem_shared>> -> memref<80x128xf32, #tpu.memory_space<vmem_shared>>
      tpu.enqueue_dma source(%dma_start3A_58 : memref<80x128xf32, #tpu.memory_space<vmem_shared>>) target(%arg9 : memref<80x128xf32, #tpu.memory_space<vmem>>) target_semaphore(%run_scoped3A_55 : memref<!tpu.dma_semaphore, #tpu.memory_space<semaphore_mem>>)
      %dma_wait3A = arith.constant 0 : i32
      %dma_wait3A_59 = tpu.memref_slice %arg6[%add3A_32, %dma_wait3A] : memref<10240x128xf32, #tpu.memory_space<vmem_shared>> -> memref<80x128xf32, #tpu.memory_space<vmem_shared>>
      %dma_wait3A_60 = arith.constant 0 : i32
      %dma_wait3A_61 = tpu.memref_slice %arg6[%add3A_32, %dma_wait3A_60] : memref<10240x128xf32, #tpu.memory_space<vmem_shared>> -> memref<80x128xf32, #tpu.memory_space<vmem_shared>>
      tpu.wait_dma2 semaphore(%run_scoped3A_55 : memref<!tpu.dma_semaphore, #tpu.memory_space<semaphore_mem>>) src(%dma_wait3A_61 : memref<80x128xf32, #tpu.memory_space<vmem_shared>>) dst(%arg9 : memref<80x128xf32, #tpu.memory_space<vmem>>)
      tpu.yield
    }) : () -> ()
    %add3A_33 = arith.constant 160 : i32
    %add3A_34 = arith.addi %multiple_of3A, %add3A_33 : i32
    "tpu.region"() ({
      %run_scoped3A_55 = tpu.sem_alloc : memref<!tpu.dma_semaphore, #tpu.memory_space<semaphore_mem>>
      %dma_start3A = arith.constant 0 : i32
      %dma_start3A_56 = tpu.memref_slice %arg5[%arg0, %add3A_34, %dma_start3A] : memref<2x10240x128xf32, #tpu.memory_space<hbm>> -> memref<1x80x128xf32, #tpu.memory_space<hbm>>
      %dma_start3A_57 = tpu.memref_squeeze %dma_start3A_56 : memref<1x80x128xf32, #tpu.memory_space<hbm>> -> memref<80x128xf32, #tpu.memory_space<hbm>>
      %dma_start3A_58 = arith.constant 0 : i32
      %dma_start3A_59 = tpu.memref_slice %arg5[%arg0, %add3A_34, %dma_start3A_58] : memref<2x10240x128xf32, #tpu.memory_space<hbm>> -> memref<1x80x128xf32, #tpu.memory_space<hbm>>
      %dma_start3A_60 = tpu.memref_squeeze %dma_start3A_59 : memref<1x80x128xf32, #tpu.memory_space<hbm>> -> memref<80x128xf32, #tpu.memory_space<hbm>>
      tpu.enqueue_dma source(%arg9 : memref<80x128xf32, #tpu.memory_space<vmem>>) target(%dma_start3A_60 : memref<80x128xf32, #tpu.memory_space<hbm>>) target_semaphore(%run_scoped3A_55 : memref<!tpu.dma_semaphore, #tpu.memory_space<semaphore_mem>>)
      %dma_wait3A = arith.constant 0 : i32
      %dma_wait3A_61 = tpu.memref_slice %arg5[%arg0, %add3A_34, %dma_wait3A] : memref<2x10240x128xf32, #tpu.memory_space<hbm>> -> memref<1x80x128xf32, #tpu.memory_space<hbm>>
      %dma_wait3A_62 = tpu.memref_squeeze %dma_wait3A_61 : memref<1x80x128xf32, #tpu.memory_space<hbm>> -> memref<80x128xf32, #tpu.memory_space<hbm>>
      %dma_wait3A_63 = arith.constant 0 : i32
      %dma_wait3A_64 = tpu.memref_slice %arg5[%arg0, %add3A_34, %dma_wait3A_63] : memref<2x10240x128xf32, #tpu.memory_space<hbm>> -> memref<1x80x128xf32, #tpu.memory_space<hbm>>
      %dma_wait3A_65 = tpu.memref_squeeze %dma_wait3A_64 : memref<1x80x128xf32, #tpu.memory_space<hbm>> -> memref<80x128xf32, #tpu.memory_space<hbm>>
      tpu.wait_dma2 semaphore(%run_scoped3A_55 : memref<!tpu.dma_semaphore, #tpu.memory_space<semaphore_mem>>) src(%arg9 : memref<80x128xf32, #tpu.memory_space<vmem>>) dst(%dma_wait3A_65 : memref<80x128xf32, #tpu.memory_space<hbm>>)
      tpu.yield
    }) : () -> ()
    %add3A_35 = arith.constant 240 : i32
    %add3A_36 = arith.addi %multiple_of3A, %add3A_35 : i32
    "tpu.region"() ({
      %run_scoped3A_55 = tpu.sem_alloc : memref<!tpu.dma_semaphore, #tpu.memory_space<semaphore_mem>>
      %dma_start3A = arith.constant 0 : i32
      %dma_start3A_56 = tpu.memref_slice %arg6[%add3A_36, %dma_start3A] : memref<10240x128xf32, #tpu.memory_space<vmem_shared>> -> memref<80x128xf32, #tpu.memory_space<vmem_shared>>
      %dma_start3A_57 = arith.constant 0 : i32
      %dma_start3A_58 = tpu.memref_slice %arg6[%add3A_36, %dma_start3A_57] : memref<10240x128xf32, #tpu.memory_space<vmem_shared>> -> memref<80x128xf32, #tpu.memory_space<vmem_shared>>
      tpu.enqueue_dma source(%dma_start3A_58 : memref<80x128xf32, #tpu.memory_space<vmem_shared>>) target(%arg9 : memref<80x128xf32, #tpu.memory_space<vmem>>) target_semaphore(%run_scoped3A_55 : memref<!tpu.dma_semaphore, #tpu.memory_space<semaphore_mem>>)
      %dma_wait3A = arith.constant 0 : i32
      %dma_wait3A_59 = tpu.memref_slice %arg6[%add3A_36, %dma_wait3A] : memref<10240x128xf32, #tpu.memory_space<vmem_shared>> -> memref<80x128xf32, #tpu.memory_space<vmem_shared>>
      %dma_wait3A_60 = arith.constant 0 : i32
      %dma_wait3A_61 = tpu.memref_slice %arg6[%add3A_36, %dma_wait3A_60] : memref<10240x128xf32, #tpu.memory_space<vmem_shared>> -> memref<80x128xf32, #tpu.memory_space<vmem_shared>>
      tpu.wait_dma2 semaphore(%run_scoped3A_55 : memref<!tpu.dma_semaphore, #tpu.memory_space<semaphore_mem>>) src(%dma_wait3A_61 : memref<80x128xf32, #tpu.memory_space<vmem_shared>>) dst(%arg9 : memref<80x128xf32, #tpu.memory_space<vmem>>)
      tpu.yield
    }) : () -> ()
    %add3A_37 = arith.constant 240 : i32
    %add3A_38 = arith.addi %multiple_of3A, %add3A_37 : i32
    "tpu.region"() ({
      %run_scoped3A_55 = tpu.sem_alloc : memref<!tpu.dma_semaphore, #tpu.memory_space<semaphore_mem>>
      %dma_start3A = arith.constant 0 : i32
      %dma_start3A_56 = tpu.memref_slice %arg5[%arg0, %add3A_38, %dma_start3A] : memref<2x10240x128xf32, #tpu.memory_space<hbm>> -> memref<1x80x128xf32, #tpu.memory_space<hbm>>
      %dma_start3A_57 = tpu.memref_squeeze %dma_start3A_56 : memref<1x80x128xf32, #tpu.memory_space<hbm>> -> memref<80x128xf32, #tpu.memory_space<hbm>>
      %dma_start3A_58 = arith.constant 0 : i32
      %dma_start3A_59 = tpu.memref_slice %arg5[%arg0, %add3A_38, %dma_start3A_58] : memref<2x10240x128xf32, #tpu.memory_space<hbm>> -> memref<1x80x128xf32, #tpu.memory_space<hbm>>
      %dma_start3A_60 = tpu.memref_squeeze %dma_start3A_59 : memref<1x80x128xf32, #tpu.memory_space<hbm>> -> memref<80x128xf32, #tpu.memory_space<hbm>>
      tpu.enqueue_dma source(%arg9 : memref<80x128xf32, #tpu.memory_space<vmem>>) target(%dma_start3A_60 : memref<80x128xf32, #tpu.memory_space<hbm>>) target_semaphore(%run_scoped3A_55 : memref<!tpu.dma_semaphore, #tpu.memory_space<semaphore_mem>>)
      %dma_wait3A = arith.constant 0 : i32
      %dma_wait3A_61 = tpu.memref_slice %arg5[%arg0, %add3A_38, %dma_wait3A] : memref<2x10240x128xf32, #tpu.memory_space<hbm>> -> memref<1x80x128xf32, #tpu.memory_space<hbm>>
      %dma_wait3A_62 = tpu.memref_squeeze %dma_wait3A_61 : memref<1x80x128xf32, #tpu.memory_space<hbm>> -> memref<80x128xf32, #tpu.memory_space<hbm>>
      %dma_wait3A_63 = arith.constant 0 : i32
      %dma_wait3A_64 = tpu.memref_slice %arg5[%arg0, %add3A_38, %dma_wait3A_63] : memref<2x10240x128xf32, #tpu.memory_space<hbm>> -> memref<1x80x128xf32, #tpu.memory_space<hbm>>
      %dma_wait3A_65 = tpu.memref_squeeze %dma_wait3A_64 : memref<1x80x128xf32, #tpu.memory_space<hbm>> -> memref<80x128xf32, #tpu.memory_space<hbm>>
      tpu.wait_dma2 semaphore(%run_scoped3A_55 : memref<!tpu.dma_semaphore, #tpu.memory_space<semaphore_mem>>) src(%arg9 : memref<80x128xf32, #tpu.memory_space<vmem>>) dst(%dma_wait3A_65 : memref<80x128xf32, #tpu.memory_space<hbm>>)
      tpu.yield
    }) : () -> ()
    %add3A_39 = arith.constant 320 : i32
    %add3A_40 = arith.addi %multiple_of3A, %add3A_39 : i32
    "tpu.region"() ({
      %run_scoped3A_55 = tpu.sem_alloc : memref<!tpu.dma_semaphore, #tpu.memory_space<semaphore_mem>>
      %dma_start3A = arith.constant 0 : i32
      %dma_start3A_56 = tpu.memref_slice %arg6[%add3A_40, %dma_start3A] : memref<10240x128xf32, #tpu.memory_space<vmem_shared>> -> memref<80x128xf32, #tpu.memory_space<vmem_shared>>
      %dma_start3A_57 = arith.constant 0 : i32
      %dma_start3A_58 = tpu.memref_slice %arg6[%add3A_40, %dma_start3A_57] : memref<10240x128xf32, #tpu.memory_space<vmem_shared>> -> memref<80x128xf32, #tpu.memory_space<vmem_shared>>
      tpu.enqueue_dma source(%dma_start3A_58 : memref<80x128xf32, #tpu.memory_space<vmem_shared>>) target(%arg9 : memref<80x128xf32, #tpu.memory_space<vmem>>) target_semaphore(%run_scoped3A_55 : memref<!tpu.dma_semaphore, #tpu.memory_space<semaphore_mem>>)
      %dma_wait3A = arith.constant 0 : i32
      %dma_wait3A_59 = tpu.memref_slice %arg6[%add3A_40, %dma_wait3A] : memref<10240x128xf32, #tpu.memory_space<vmem_shared>> -> memref<80x128xf32, #tpu.memory_space<vmem_shared>>
      %dma_wait3A_60 = arith.constant 0 : i32
      %dma_wait3A_61 = tpu.memref_slice %arg6[%add3A_40, %dma_wait3A_60] : memref<10240x128xf32, #tpu.memory_space<vmem_shared>> -> memref<80x128xf32, #tpu.memory_space<vmem_shared>>
      tpu.wait_dma2 semaphore(%run_scoped3A_55 : memref<!tpu.dma_semaphore, #tpu.memory_space<semaphore_mem>>) src(%dma_wait3A_61 : memref<80x128xf32, #tpu.memory_space<vmem_shared>>) dst(%arg9 : memref<80x128xf32, #tpu.memory_space<vmem>>)
      tpu.yield
    }) : () -> ()
    %add3A_41 = arith.constant 320 : i32
    %add3A_42 = arith.addi %multiple_of3A, %add3A_41 : i32
    "tpu.region"() ({
      %run_scoped3A_55 = tpu.sem_alloc : memref<!tpu.dma_semaphore, #tpu.memory_space<semaphore_mem>>
      %dma_start3A = arith.constant 0 : i32
      %dma_start3A_56 = tpu.memref_slice %arg5[%arg0, %add3A_42, %dma_start3A] : memref<2x10240x128xf32, #tpu.memory_space<hbm>> -> memref<1x80x128xf32, #tpu.memory_space<hbm>>
      %dma_start3A_57 = tpu.memref_squeeze %dma_start3A_56 : memref<1x80x128xf32, #tpu.memory_space<hbm>> -> memref<80x128xf32, #tpu.memory_space<hbm>>
      %dma_start3A_58 = arith.constant 0 : i32
      %dma_start3A_59 = tpu.memref_slice %arg5[%arg0, %add3A_42, %dma_start3A_58] : memref<2x10240x128xf32, #tpu.memory_space<hbm>> -> memref<1x80x128xf32, #tpu.memory_space<hbm>>
      %dma_start3A_60 = tpu.memref_squeeze %dma_start3A_59 : memref<1x80x128xf32, #tpu.memory_space<hbm>> -> memref<80x128xf32, #tpu.memory_space<hbm>>
      tpu.enqueue_dma source(%arg9 : memref<80x128xf32, #tpu.memory_space<vmem>>) target(%dma_start3A_60 : memref<80x128xf32, #tpu.memory_space<hbm>>) target_semaphore(%run_scoped3A_55 : memref<!tpu.dma_semaphore, #tpu.memory_space<semaphore_mem>>)
      %dma_wait3A = arith.constant 0 : i32
      %dma_wait3A_61 = tpu.memref_slice %arg5[%arg0, %add3A_42, %dma_wait3A] : memref<2x10240x128xf32, #tpu.memory_space<hbm>> -> memref<1x80x128xf32, #tpu.memory_space<hbm>>
      %dma_wait3A_62 = tpu.memref_squeeze %dma_wait3A_61 : memref<1x80x128xf32, #tpu.memory_space<hbm>> -> memref<80x128xf32, #tpu.memory_space<hbm>>
      %dma_wait3A_63 = arith.constant 0 : i32
      %dma_wait3A_64 = tpu.memref_slice %arg5[%arg0, %add3A_42, %dma_wait3A_63] : memref<2x10240x128xf32, #tpu.memory_space<hbm>> -> memref<1x80x128xf32, #tpu.memory_space<hbm>>
      %dma_wait3A_65 = tpu.memref_squeeze %dma_wait3A_64 : memref<1x80x128xf32, #tpu.memory_space<hbm>> -> memref<80x128xf32, #tpu.memory_space<hbm>>
      tpu.wait_dma2 semaphore(%run_scoped3A_55 : memref<!tpu.dma_semaphore, #tpu.memory_space<semaphore_mem>>) src(%arg9 : memref<80x128xf32, #tpu.memory_space<vmem>>) dst(%dma_wait3A_65 : memref<80x128xf32, #tpu.memory_space<hbm>>)
      tpu.yield
    }) : () -> ()
    %add3A_43 = arith.constant 400 : i32
    %add3A_44 = arith.addi %multiple_of3A, %add3A_43 : i32
    "tpu.region"() ({
      %run_scoped3A_55 = tpu.sem_alloc : memref<!tpu.dma_semaphore, #tpu.memory_space<semaphore_mem>>
      %dma_start3A = arith.constant 0 : i32
      %dma_start3A_56 = tpu.memref_slice %arg6[%add3A_44, %dma_start3A] : memref<10240x128xf32, #tpu.memory_space<vmem_shared>> -> memref<80x128xf32, #tpu.memory_space<vmem_shared>>
      %dma_start3A_57 = arith.constant 0 : i32
      %dma_start3A_58 = tpu.memref_slice %arg6[%add3A_44, %dma_start3A_57] : memref<10240x128xf32, #tpu.memory_space<vmem_shared>> -> memref<80x128xf32, #tpu.memory_space<vmem_shared>>
      tpu.enqueue_dma source(%dma_start3A_58 : memref<80x128xf32, #tpu.memory_space<vmem_shared>>) target(%arg9 : memref<80x128xf32, #tpu.memory_space<vmem>>) target_semaphore(%run_scoped3A_55 : memref<!tpu.dma_semaphore, #tpu.memory_space<semaphore_mem>>)
      %dma_wait3A = arith.constant 0 : i32
      %dma_wait3A_59 = tpu.memref_slice %arg6[%add3A_44, %dma_wait3A] : memref<10240x128xf32, #tpu.memory_space<vmem_shared>> -> memref<80x128xf32, #tpu.memory_space<vmem_shared>>
      %dma_wait3A_60 = arith.constant 0 : i32
      %dma_wait3A_61 = tpu.memref_slice %arg6[%add3A_44, %dma_wait3A_60] : memref<10240x128xf32, #tpu.memory_space<vmem_shared>> -> memref<80x128xf32, #tpu.memory_space<vmem_shared>>
      tpu.wait_dma2 semaphore(%run_scoped3A_55 : memref<!tpu.dma_semaphore, #tpu.memory_space<semaphore_mem>>) src(%dma_wait3A_61 : memref<80x128xf32, #tpu.memory_space<vmem_shared>>) dst(%arg9 : memref<80x128xf32, #tpu.memory_space<vmem>>)
      tpu.yield
    }) : () -> ()
    %add3A_45 = arith.constant 400 : i32
    %add3A_46 = arith.addi %multiple_of3A, %add3A_45 : i32
    "tpu.region"() ({
      %run_scoped3A_55 = tpu.sem_alloc : memref<!tpu.dma_semaphore, #tpu.memory_space<semaphore_mem>>
      %dma_start3A = arith.constant 0 : i32
      %dma_start3A_56 = tpu.memref_slice %arg5[%arg0, %add3A_46, %dma_start3A] : memref<2x10240x128xf32, #tpu.memory_space<hbm>> -> memref<1x80x128xf32, #tpu.memory_space<hbm>>
      %dma_start3A_57 = tpu.memref_squeeze %dma_start3A_56 : memref<1x80x128xf32, #tpu.memory_space<hbm>> -> memref<80x128xf32, #tpu.memory_space<hbm>>
      %dma_start3A_58 = arith.constant 0 : i32
      %dma_start3A_59 = tpu.memref_slice %arg5[%arg0, %add3A_46, %dma_start3A_58] : memref<2x10240x128xf32, #tpu.memory_space<hbm>> -> memref<1x80x128xf32, #tpu.memory_space<hbm>>
      %dma_start3A_60 = tpu.memref_squeeze %dma_start3A_59 : memref<1x80x128xf32, #tpu.memory_space<hbm>> -> memref<80x128xf32, #tpu.memory_space<hbm>>
      tpu.enqueue_dma source(%arg9 : memref<80x128xf32, #tpu.memory_space<vmem>>) target(%dma_start3A_60 : memref<80x128xf32, #tpu.memory_space<hbm>>) target_semaphore(%run_scoped3A_55 : memref<!tpu.dma_semaphore, #tpu.memory_space<semaphore_mem>>)
      %dma_wait3A = arith.constant 0 : i32
      %dma_wait3A_61 = tpu.memref_slice %arg5[%arg0, %add3A_46, %dma_wait3A] : memref<2x10240x128xf32, #tpu.memory_space<hbm>> -> memref<1x80x128xf32, #tpu.memory_space<hbm>>
      %dma_wait3A_62 = tpu.memref_squeeze %dma_wait3A_61 : memref<1x80x128xf32, #tpu.memory_space<hbm>> -> memref<80x128xf32, #tpu.memory_space<hbm>>
      %dma_wait3A_63 = arith.constant 0 : i32
      %dma_wait3A_64 = tpu.memref_slice %arg5[%arg0, %add3A_46, %dma_wait3A_63] : memref<2x10240x128xf32, #tpu.memory_space<hbm>> -> memref<1x80x128xf32, #tpu.memory_space<hbm>>
      %dma_wait3A_65 = tpu.memref_squeeze %dma_wait3A_64 : memref<1x80x128xf32, #tpu.memory_space<hbm>> -> memref<80x128xf32, #tpu.memory_space<hbm>>
      tpu.wait_dma2 semaphore(%run_scoped3A_55 : memref<!tpu.dma_semaphore, #tpu.memory_space<semaphore_mem>>) src(%arg9 : memref<80x128xf32, #tpu.memory_space<vmem>>) dst(%dma_wait3A_65 : memref<80x128xf32, #tpu.memory_space<hbm>>)
      tpu.yield
    }) : () -> ()
    %add3A_47 = arith.constant 480 : i32
    %add3A_48 = arith.addi %multiple_of3A, %add3A_47 : i32
    "tpu.region"() ({
      %run_scoped3A_55 = tpu.sem_alloc : memref<!tpu.dma_semaphore, #tpu.memory_space<semaphore_mem>>
      %dma_start3A = arith.constant 0 : i32
      %dma_start3A_56 = tpu.memref_slice %arg6[%add3A_48, %dma_start3A] : memref<10240x128xf32, #tpu.memory_space<vmem_shared>> -> memref<80x128xf32, #tpu.memory_space<vmem_shared>>
      %dma_start3A_57 = arith.constant 0 : i32
      %dma_start3A_58 = tpu.memref_slice %arg6[%add3A_48, %dma_start3A_57] : memref<10240x128xf32, #tpu.memory_space<vmem_shared>> -> memref<80x128xf32, #tpu.memory_space<vmem_shared>>
      tpu.enqueue_dma source(%dma_start3A_58 : memref<80x128xf32, #tpu.memory_space<vmem_shared>>) target(%arg9 : memref<80x128xf32, #tpu.memory_space<vmem>>) target_semaphore(%run_scoped3A_55 : memref<!tpu.dma_semaphore, #tpu.memory_space<semaphore_mem>>)
      %dma_wait3A = arith.constant 0 : i32
      %dma_wait3A_59 = tpu.memref_slice %arg6[%add3A_48, %dma_wait3A] : memref<10240x128xf32, #tpu.memory_space<vmem_shared>> -> memref<80x128xf32, #tpu.memory_space<vmem_shared>>
      %dma_wait3A_60 = arith.constant 0 : i32
      %dma_wait3A_61 = tpu.memref_slice %arg6[%add3A_48, %dma_wait3A_60] : memref<10240x128xf32, #tpu.memory_space<vmem_shared>> -> memref<80x128xf32, #tpu.memory_space<vmem_shared>>
      tpu.wait_dma2 semaphore(%run_scoped3A_55 : memref<!tpu.dma_semaphore, #tpu.memory_space<semaphore_mem>>) src(%dma_wait3A_61 : memref<80x128xf32, #tpu.memory_space<vmem_shared>>) dst(%arg9 : memref<80x128xf32, #tpu.memory_space<vmem>>)
      tpu.yield
    }) : () -> ()
    %add3A_49 = arith.constant 480 : i32
    %add3A_50 = arith.addi %multiple_of3A, %add3A_49 : i32
    "tpu.region"() ({
      %run_scoped3A_55 = tpu.sem_alloc : memref<!tpu.dma_semaphore, #tpu.memory_space<semaphore_mem>>
      %dma_start3A = arith.constant 0 : i32
      %dma_start3A_56 = tpu.memref_slice %arg5[%arg0, %add3A_50, %dma_start3A] : memref<2x10240x128xf32, #tpu.memory_space<hbm>> -> memref<1x80x128xf32, #tpu.memory_space<hbm>>
      %dma_start3A_57 = tpu.memref_squeeze %dma_start3A_56 : memref<1x80x128xf32, #tpu.memory_space<hbm>> -> memref<80x128xf32, #tpu.memory_space<hbm>>
      %dma_start3A_58 = arith.constant 0 : i32
      %dma_start3A_59 = tpu.memref_slice %arg5[%arg0, %add3A_50, %dma_start3A_58] : memref<2x10240x128xf32, #tpu.memory_space<hbm>> -> memref<1x80x128xf32, #tpu.memory_space<hbm>>
      %dma_start3A_60 = tpu.memref_squeeze %dma_start3A_59 : memref<1x80x128xf32, #tpu.memory_space<hbm>> -> memref<80x128xf32, #tpu.memory_space<hbm>>
      tpu.enqueue_dma source(%arg9 : memref<80x128xf32, #tpu.memory_space<vmem>>) target(%dma_start3A_60 : memref<80x128xf32, #tpu.memory_space<hbm>>) target_semaphore(%run_scoped3A_55 : memref<!tpu.dma_semaphore, #tpu.memory_space<semaphore_mem>>)
      %dma_wait3A = arith.constant 0 : i32
      %dma_wait3A_61 = tpu.memref_slice %arg5[%arg0, %add3A_50, %dma_wait3A] : memref<2x10240x128xf32, #tpu.memory_space<hbm>> -> memref<1x80x128xf32, #tpu.memory_space<hbm>>
      %dma_wait3A_62 = tpu.memref_squeeze %dma_wait3A_61 : memref<1x80x128xf32, #tpu.memory_space<hbm>> -> memref<80x128xf32, #tpu.memory_space<hbm>>
      %dma_wait3A_63 = arith.constant 0 : i32
      %dma_wait3A_64 = tpu.memref_slice %arg5[%arg0, %add3A_50, %dma_wait3A_63] : memref<2x10240x128xf32, #tpu.memory_space<hbm>> -> memref<1x80x128xf32, #tpu.memory_space<hbm>>
      %dma_wait3A_65 = tpu.memref_squeeze %dma_wait3A_64 : memref<1x80x128xf32, #tpu.memory_space<hbm>> -> memref<80x128xf32, #tpu.memory_space<hbm>>
      tpu.wait_dma2 semaphore(%run_scoped3A_55 : memref<!tpu.dma_semaphore, #tpu.memory_space<semaphore_mem>>) src(%arg9 : memref<80x128xf32, #tpu.memory_space<vmem>>) dst(%dma_wait3A_65 : memref<80x128xf32, #tpu.memory_space<hbm>>)
      tpu.yield
    }) : () -> ()
    %add3A_51 = arith.constant 560 : i32
    %add3A_52 = arith.addi %multiple_of3A, %add3A_51 : i32
    "tpu.region"() ({
      %run_scoped3A_55 = tpu.sem_alloc : memref<!tpu.dma_semaphore, #tpu.memory_space<semaphore_mem>>
      %dma_start3A = arith.constant 0 : i32
      %dma_start3A_56 = tpu.memref_slice %arg6[%add3A_52, %dma_start3A] : memref<10240x128xf32, #tpu.memory_space<vmem_shared>> -> memref<80x128xf32, #tpu.memory_space<vmem_shared>>
      %dma_start3A_57 = arith.constant 0 : i32
      %dma_start3A_58 = tpu.memref_slice %arg6[%add3A_52, %dma_start3A_57] : memref<10240x128xf32, #tpu.memory_space<vmem_shared>> -> memref<80x128xf32, #tpu.memory_space<vmem_shared>>
      tpu.enqueue_dma source(%dma_start3A_58 : memref<80x128xf32, #tpu.memory_space<vmem_shared>>) target(%arg9 : memref<80x128xf32, #tpu.memory_space<vmem>>) target_semaphore(%run_scoped3A_55 : memref<!tpu.dma_semaphore, #tpu.memory_space<semaphore_mem>>)
      %dma_wait3A = arith.constant 0 : i32
      %dma_wait3A_59 = tpu.memref_slice %arg6[%add3A_52, %dma_wait3A] : memref<10240x128xf32, #tpu.memory_space<vmem_shared>> -> memref<80x128xf32, #tpu.memory_space<vmem_shared>>
      %dma_wait3A_60 = arith.constant 0 : i32
      %dma_wait3A_61 = tpu.memref_slice %arg6[%add3A_52, %dma_wait3A_60] : memref<10240x128xf32, #tpu.memory_space<vmem_shared>> -> memref<80x128xf32, #tpu.memory_space<vmem_shared>>
      tpu.wait_dma2 semaphore(%run_scoped3A_55 : memref<!tpu.dma_semaphore, #tpu.memory_space<semaphore_mem>>) src(%dma_wait3A_61 : memref<80x128xf32, #tpu.memory_space<vmem_shared>>) dst(%arg9 : memref<80x128xf32, #tpu.memory_space<vmem>>)
      tpu.yield
    }) : () -> ()
    %add3A_53 = arith.constant 560 : i32
    %add3A_54 = arith.addi %multiple_of3A, %add3A_53 : i32
    "tpu.region"() ({
      %run_scoped3A_55 = tpu.sem_alloc : memref<!tpu.dma_semaphore, #tpu.memory_space<semaphore_mem>>
      %dma_start3A = arith.constant 0 : i32
      %dma_start3A_56 = tpu.memref_slice %arg5[%arg0, %add3A_54, %dma_start3A] : memref<2x10240x128xf32, #tpu.memory_space<hbm>> -> memref<1x80x128xf32, #tpu.memory_space<hbm>>
      %dma_start3A_57 = tpu.memref_squeeze %dma_start3A_56 : memref<1x80x128xf32, #tpu.memory_space<hbm>> -> memref<80x128xf32, #tpu.memory_space<hbm>>
      %dma_start3A_58 = arith.constant 0 : i32
      %dma_start3A_59 = tpu.memref_slice %arg5[%arg0, %add3A_54, %dma_start3A_58] : memref<2x10240x128xf32, #tpu.memory_space<hbm>> -> memref<1x80x128xf32, #tpu.memory_space<hbm>>
      %dma_start3A_60 = tpu.memref_squeeze %dma_start3A_59 : memref<1x80x128xf32, #tpu.memory_space<hbm>> -> memref<80x128xf32, #tpu.memory_space<hbm>>
      tpu.enqueue_dma source(%arg9 : memref<80x128xf32, #tpu.memory_space<vmem>>) target(%dma_start3A_60 : memref<80x128xf32, #tpu.memory_space<hbm>>) target_semaphore(%run_scoped3A_55 : memref<!tpu.dma_semaphore, #tpu.memory_space<semaphore_mem>>)
      %dma_wait3A = arith.constant 0 : i32
      %dma_wait3A_61 = tpu.memref_slice %arg5[%arg0, %add3A_54, %dma_wait3A] : memref<2x10240x128xf32, #tpu.memory_space<hbm>> -> memref<1x80x128xf32, #tpu.memory_space<hbm>>
      %dma_wait3A_62 = tpu.memref_squeeze %dma_wait3A_61 : memref<1x80x128xf32, #tpu.memory_space<hbm>> -> memref<80x128xf32, #tpu.memory_space<hbm>>
      %dma_wait3A_63 = arith.constant 0 : i32
      %dma_wait3A_64 = tpu.memref_slice %arg5[%arg0, %add3A_54, %dma_wait3A_63] : memref<2x10240x128xf32, #tpu.memory_space<hbm>> -> memref<1x80x128xf32, #tpu.memory_space<hbm>>
      %dma_wait3A_65 = tpu.memref_squeeze %dma_wait3A_64 : memref<1x80x128xf32, #tpu.memory_space<hbm>> -> memref<80x128xf32, #tpu.memory_space<hbm>>
      tpu.wait_dma2 semaphore(%run_scoped3A_55 : memref<!tpu.dma_semaphore, #tpu.memory_space<semaphore_mem>>) src(%arg9 : memref<80x128xf32, #tpu.memory_space<vmem>>) dst(%dma_wait3A_65 : memref<80x128xf32, #tpu.memory_space<hbm>>)
      tpu.yield
    }) : () -> ()
    return
  }
}

module attributes {stable_mosaic.version = 14 : i64} {
  func.func @scale_body(%arg0: memref<10000x128xf32, #tpu.memory_space<vmem>>, %arg1: memref<2x10240xf32, #tpu.memory_space<vmem>>, %arg2: memref<10000x128xf32, #tpu.memory_space<vmem>>) attributes {dimension_semantics = [], scalar_prefetch = 0 : i64, scratch_operands = 0 : i64, tpu.core_type = #tpu.core_type<tc>} {
    %get3A = arith.constant 0 : index
    %get3A_0 = arith.constant 0 : index
    %get3A_1 = vector.load %arg1[%get3A, %get3A_0] : memref<2x10240xf32, #tpu.memory_space<vmem>>, vector<1x10000xf32>
    %get3A_2 = vector.shape_cast %get3A_1 : vector<1x10000xf32> to vector<10000xf32>
    %get3A_3 = arith.constant 0 : index
    %get3A_4 = arith.constant 0 : index
    %get3A_5 = vector.load %arg0[%get3A_3, %get3A_4] : memref<10000x128xf32, #tpu.memory_space<vmem>>, vector<10000x128xf32>
    %max3A = arith.constant 1.000000e+00 : f32
    %max3A_6 = vector.broadcast %max3A : f32 to vector<10000xf32>
    %max3A_7 = arith.maximumf %get3A_2, %max3A_6 : vector<10000xf32>
    %rsqrt3A = math.rsqrt %max3A_7 : vector<10000xf32>
    %broadcast_in_dim3A = vector.shape_cast %rsqrt3A : vector<10000xf32> to vector<10000x1xf32>
    %mul3A = vector.broadcast %broadcast_in_dim3A : vector<10000x1xf32> to vector<10000x128xf32>
    %mul3A_8 = arith.mulf %get3A_5, %mul3A : vector<10000x128xf32>
    %swap3A = arith.constant 0 : index
    %swap3A_9 = arith.constant 0 : index
    %swap3A_10 = vector.load %arg2[%swap3A, %swap3A_9] : memref<10000x128xf32, #tpu.memory_space<vmem>>, vector<10000x128xf32>
    tpu.vector_store %arg2[%swap3A, %swap3A_9], %mul3A_8 {strides = array<i32>} : memref<10000x128xf32, #tpu.memory_space<vmem>>, vector<10000x128xf32>,
    return
  }
}

module attributes {stable_mosaic.version = 14 : i64} {
  func.func @fin_body(%arg0: memref<2x10240x128xf32, #tpu.memory_space<vmem>>, %arg1: memref<2x10240xf32, #tpu.memory_space<vmem>>, %arg2: memref<128x128xf32, #tpu.memory_space<vmem>>, %arg3: memref<1x128xf32, #tpu.memory_space<vmem>>, %arg4: memref<10000x128xf32, #tpu.memory_space<vmem>>) attributes {dimension_semantics = [], scalar_prefetch = 0 : i64, scratch_operands = 0 : i64, tpu.core_type = #tpu.core_type<tc>} {
    %get3A = arith.constant 0 : index
    %get3A_0 = arith.constant 0 : index
    %get3A_1 = arith.constant 0 : index
    %get3A_2 = vector.load %arg0[%get3A, %get3A_0, %get3A_1] : memref<2x10240x128xf32, #tpu.memory_space<vmem>>, vector<1x10000x128xf32>
    %get3A_3 = vector.shape_cast %get3A_2 : vector<1x10000x128xf32> to vector<10000x128xf32>
    %get3A_4 = arith.constant 1 : index
    %get3A_5 = arith.constant 0 : index
    %get3A_6 = arith.constant 0 : index
    %get3A_7 = vector.load %arg0[%get3A_4, %get3A_5, %get3A_6] : memref<2x10240x128xf32, #tpu.memory_space<vmem>>, vector<1x10000x128xf32>
    %get3A_8 = vector.shape_cast %get3A_7 : vector<1x10000x128xf32> to vector<10000x128xf32>
    %add3A = arith.addf %get3A_3, %get3A_8 : vector<10000x128xf32>
    %get3A_9 = arith.constant 0 : index
    %get3A_10 = arith.constant 0 : index
    %get3A_11 = vector.load %arg2[%get3A_9, %get3A_10] : memref<128x128xf32, #tpu.memory_space<vmem>>, vector<128x128xf32>
    %dot_general3A = arith.constant dense<0.000000e+00> : vector<10000x128xf32>
    %dot_general3A_12 = tpu.matmul %add3A, %get3A_11, %dot_general3A {dimension_numbers = #tpu.dot_dimension_numbers<[1], [0], [0], [1], [0, 0, 1, 1], [], []>, transpose_lhs_hint = false} : vector<10000x128xf32>, vector<128x128xf32>, vector<10000x128xf32> -> vector<10000x128xf32>
    %get3A_13 = arith.constant 1 : index
    %get3A_14 = arith.constant 0 : index
    %get3A_15 = vector.load %arg1[%get3A_13, %get3A_14] : memref<2x10240xf32, #tpu.memory_space<vmem>>, vector<1x10000xf32>
    %get3A_16 = vector.shape_cast %get3A_15 : vector<1x10000xf32> to vector<10000xf32>
    %max3A = arith.constant 1.000000e+00 : f32
    %max3A_17 = vector.broadcast %max3A : f32 to vector<10000xf32>
    %max3A_18 = arith.maximumf %get3A_16, %max3A_17 : vector<10000xf32>
    %rsqrt3A = math.rsqrt %max3A_18 : vector<10000xf32>
    %broadcast_in_dim3A = vector.shape_cast %rsqrt3A : vector<10000xf32> to vector<10000x1xf32>
    %mul3A = vector.broadcast %broadcast_in_dim3A : vector<10000x1xf32> to vector<10000x128xf32>
    %mul3A_19 = arith.mulf %dot_general3A_12, %mul3A : vector<10000x128xf32>
    %get3A_20 = arith.constant 0 : index
    %get3A_21 = arith.constant 0 : index
    %get3A_22 = vector.load %arg3[%get3A_20, %get3A_21] : memref<1x128xf32, #tpu.memory_space<vmem>>, vector<1x128xf32>
    %add3A_23 = vector.broadcast %get3A_22 : vector<1x128xf32> to vector<10000x128xf32>
    %add3A_24 = arith.addf %mul3A_19, %add3A_23 : vector<10000x128xf32>
    %swap3A = arith.constant 0 : index
    %swap3A_25 = arith.constant 0 : index
    %swap3A_26 = vector.load %arg4[%swap3A, %swap3A_25] : memref<10000x128xf32, #tpu.memory_space<vmem>>, vector<10000x128xf32>
    tpu.vector_store %arg4[%swap3A, %swap3A_25], %add3A_24 {strides = array<i32>} : memref<10000x128xf32, #tpu.memory_space<vmem>>, vector<10000x128xf32>,
    return
  }
}

</mosaic_0001>

<sc_bundles>
// kernel: kernel.6.cloned.1.call-start
scs
__scs_entry_jumppad:
0x0: {  	(pc) =	sbr.rel $0x88, $3  }
0x1: {  	(tag) =	ssettag $0x0;
	lr =	simm.s32 $0x1  }
0x2: {  	[smem:$0x3F9D] =	sst lr;
	_ =	strace $0xD0000000  }
0x3: {  	_ = 	snop  }
0x4: {  	_ = 	snop  }
0x5: {  	_ = 	snop  }
0x6: {  	_ = 	snop  }
0x7: {  	_ = 	snop  }
__scs_overlays_trampoline_lowered:
0x8: {  	[smem:$0x3FAC] =	sst s0  }
0x9: {  	[smem:$0x3FAD] =	sst s1  }
0xa: {  	[smem:$0x3FAE] =	sst s2  }
0xb: {  	[smem:$0x3FAF] =	sst s3  }
0xc: {  	[smem:$0x3FB0] =	sst s4  }
0xd: {  	[smem:$0x3FB1] =	sst s5  }
0xe: {  	[smem:$0x3FB2] =	sst s6  }
0xf: {  	[smem:$0x3FB3] =	sst s7  }
0x10: {  	[smem:$0x3FB4] =	sst s8  }
0x11: {  	[smem:$0x3FB5] =	sst s9;
	s0 =	simm.s32 @!p0 $0x0  }
0x12: {  	s1 =	sld [smem:$0x3F9B];
	s0 =	simm.s32 @p0 $0x1  }
0x13: {  	[smem:$0x3FB6] =	sst s0;
	s0 =	simm.s32 @!p1 $0x0  }
0x14: {  	s2 =	sld [smem:$0x3F9A];
	s0 =	simm.s32 @p1 $0x1  }
0x15: {  	[smem:$0x3FB7] =	sst s0;
	s0 =	simm.s32 @!p2 $0x0  }
0x16: {  	s3 =	sld [smem:$0x3FDB];
	s0 =	simm.s32 @p2 $0x1  }
0x17: {  	s4 =	simm.s32 $0x1BF5;
	[smem:$0x3FB9] =	sst s0  }
0x18: {  	s0 =	sld [smem:$0x3F9C];
	_ =	swait.ge [sflag:s4], $0x0  }
0x19: {  	s7 =	sld [smem:$0x3F9D]  }
0x1a: {  	s8 =	sadd.s32 $0xFFFFE003, lr  }
0x1b: {  	s9 =	sadd.s32 $0xFFFFFEF7, lr;
	s5 =	simm.s32 $0xFFFFFFFF;
	p2 =	slt.u32 s8, $0xFFFFF086  }
0x1c: {  	p1 =	slt.u32 s9, $0xF7A;
	s5 =	simm.s32 @!p2 $0x0  }
0x1d: {  	s5 =	simm.s32 @p1 $0x1;
	p0 =	seq.s32 s7, s2  }
0x1e: {  	s7 =	smul.u32 @!p0 $0xF7A, s2;
	p2 =	seq.s32 @!p0 s5, $0x0  }
0x1f: {  	s9 =	smul.u32 $0xF7A, s1;
	s8 =	simm.s32 @!p0 $0x1BF5;
	p2 =	por !p2, p0  }
0x20: {  	[sflag:s8] =	ssyncset.s32 @!p0 $0xFFFFF086;
	s6 =	sadd.s32 @!p0 s3, s7;
	s7 =	simm.s32 @!p0 $0x108  }
0x21: {  	s3 =	sadd.s32 s3, s9;
	s6 =	sadd.s32 @!p0 $0x88, s6;
	s7 =	simm.s32 @p2 $0x1082  }
0x22: {  	[simem:s7], [sflag:s8] =	dma.local @!p0 [hbm:s6], $0xF7A  }
0x23: {  	s9 =	sor.u32 $0xD0000000, s2;
	s6 =	simm.s32 $0x108;
	_ =	swait.ge @!p0 [sflag:s8], $0x0  }
0x24: {  	s3 =	sadd.s32 $0x88, s3;
	s6 =	simm.s32 @!p1 $0x1082;
	[sflag:s4] =	ssyncset.s32 $0xFFFFF086  }
0x25: {  	[simem:s6], [sflag:s4] =	dma.local [hbm:s3], $0xF7A  }
0x26: {  	[smem:$0x3F9D] =	sst s1;
	(tag) =	ssettag s2;
	_ =	strace s9  }
0x27: {  	s1 =	sld [smem:$0x3FAD]  }
0x28: {  	s2 =	sld [smem:$0x3FAE]  }
0x29: {  	s4 =	sld [smem:$0x3FB0]  }
0x2a: {  	p0 =	seq.s32 s5, $0x0;
	s5 =	sld [smem:$0x3FB1]  }
0x2b: {  	s6 =	sld [smem:$0x3FB2]  }
0x2c: {  	s7 =	sld [smem:$0x3FB3]  }
0x2d: {  	s3 =	simm.s32 $0x108;
	s8 =	sld [smem:$0x3FB4]  }
0x2e: {  	s3 =	simm.s32 @!p0 $0x1082;
	s9 =	sld [smem:$0x3FB5]  }
0x2f: {  	lr =	sadd.s32 s0, s3;
	s0 =	sld [smem:$0x3FAC]  }
0x30: {  	s3 =	sld [smem:$0x3FAF]  }
0x31: {  	[smem:$0x3FB8] =	sst s10  }
0x32: {  	s10 =	sld [smem:$0x3FB6];
	_ =	sdelay $0x3  }
0x33: {  	p0 =	seq.s32 s10, $0x1;
	s10 =	sld [smem:$0x3FB8];
	_ =	sdelay $0x3  }
0x34: {  	[smem:$0x3FB8] =	sst s10  }
0x35: {  	s10 =	sld [smem:$0x3FB7];
	_ =	sdelay $0x3  }
0x36: {  	p1 =	seq.s32 s10, $0x1;
	s10 =	sld [smem:$0x3FB8];
	_ =	sdelay $0x3  }
0x37: {  	[smem:$0x3FB8] =	sst s10  }
0x38: {  	s10 =	sld [smem:$0x3FB9]  }
0x39: {  	_ = 	snop;
	(pc) =	sbr.ind lr, $3  }
0x3a: {  	_ = 	snop  }
0x3b: {  	_ = 	snop  }
0x3c: {  	p2 =	seq.s32 s10, $0x1;
	s10 =	sld [smem:$0x3FB8]  }
0x3d: {  	_ =	shalt  }
0x3e: {  	_ =	shalt  }
0x3f: {  	_ =	shalt  }
0x40: {  	_ =	shalt  }
0x41: {  	_ =	shalt  }
0x42: {  	_ =	shalt  }
0x43: {  	_ =	shalt  }
0x44: {  	_ =	shalt  }
0x45: {  	_ =	shalt  }
0x46: {  	_ =	shalt  }
0x47: {  	_ =	shalt  }
0x48: {  	_ =	shalt  }
0x49: {  	_ =	shalt  }
0x4a: {  	_ =	shalt  }
0x4b: {  	_ =	shalt  }
0x4c: {  	_ =	shalt  }
0x4d: {  	_ =	shalt  }
0x4e: {  	_ =	shalt  }
0x4f: {  	_ =	shalt  }
0x50: {  	_ =	shalt  }
0x51: {  	_ =	shalt  }
0x52: {  	_ =	shalt  }
0x53: {  	_ =	shalt  }
0x54: {  	_ =	shalt  }
0x55: {  	_ =	shalt  }
0x56: {  	_ =	shalt  }
0x57: {  	_ =	shalt  }
0x58: {  	_ =	shalt  }
0x59: {  	_ =	shalt  }
0x5a: {  	_ =	shalt  }
0x5b: {  	_ =	shalt  }
0x5c: {  	_ =	shalt  }
0x5d: {  	_ =	shalt  }
0x5e: {  	_ =	shalt  }
0x5f: {  	_ =	shalt  }
0x60: {  	_ =	shalt  }
0x61: {  	_ =	shalt  }
0x62: {  	_ =	shalt  }
0x63: {  	_ =	shalt  }
0x64: {  	_ =	shalt  }
0x65: {  	_ =	shalt  }
0x66: {  	_ =	shalt  }
0x67: {  	_ =	shalt  }
0x68: {  	_ =	shalt  }
0x69: {  	_ =	shalt  }
0x6a: {  	_ =	shalt  }
0x6b: {  	_ =	shalt  }
0x6c: {  	_ =	shalt  }
0x6d: {  	_ =	shalt  }
0x6e: {  	_ =	shalt  }
0x6f: {  	_ =	shalt  }
0x70: {  	_ =	shalt  }
0x71: {  	_ =	shalt  }
0x72: {  	_ =	shalt  }
0x73: {  	_ =	shalt  }
0x74: {  	_ =	shalt  }
0x75: {  	_ =	shalt  }
0x76: {  	_ =	shalt  }
0x77: {  	_ =	shalt  }
0x78: {  	_ =	shalt  }
0x79: {  	_ =	shalt  }
0x7a: {  	_ =	shalt  }
0x7b: {  	_ =	shalt  }
0x7c: {  	_ =	shalt  }
0x7d: {  	_ =	shalt  }
0x7e: {  	_ =	shalt  }
0x7f: {  	_ =	shalt  }
0x80: {  	_ =	shalt  }
0x81: {  	_ =	shalt  }
0x82: {  	_ =	shalt  }
0x83: {  	_ =	shalt  }
0x84: {  	_ =	shalt  }
0x85: {  	_ =	shalt  }
0x86: {  	_ =	shalt  }
0x87: {  	_ =	shalt  }
.Lfunc_end0:
.L_simem_size_0:
called_computation_lowered:
.L_overlay_start_0:
0x88: {  	s2 =	sld [smem:$0x3FD9]  }
0x89: {  	s3 =	sld [smem:$0x3FFE];
	_ =	sdelay $0x1  }
0x8a: {  	s1 =	srdreg.scid  }
0x8b: {  	s0 =	sand.u32 $0x1, s1  }
0x8c: {  	s17 =	sshll.u32 s0, $0xA;
	s2 =	sadd.s32 s3, s2  }
0x8d: {  	s2 =	sadd.s32 s2, s17  }
0x8e: {  	[smem:$0x3FC4] =	sst s2  }
0x8f: {  	_ = 	snop  }
0x90: {  	s2 =	sld [smem:$0x3FD0];
	(tm) =	ssettm $0x1  }
0x91: {  	s18 =	sld [smem:$0x3FFB];
	_ =	sdelay $0x3  }
0x92: {  	_ =	strace s18  }
0x93: {  	s3 =	sld [smem:$0x3FFC];
	_ =	sdelay $0x3  }
0x94: {  	_ =	strace s3  }
0x95: {  	s3 =	sld [smem:$0x3FFD];
	_ =	sdelay $0x3  }
0x96: {  	_ =	strace s3  }
0x97: {  	_ =	strace $0x8FFFFFFF  }
0x98: {  	s19 =	sld [smem:$0x3FDB];
	_ =	sdelay $0x1  }
0x99: {  	s4 =	simm.s32 $_scs_section_size  }
0x9a: {  	s5 =	simm.s32 $_size__tile_overlayer_lowered;
	s6 =	simm.s32 $_tile_overlayer_lowered  }
0x9b: {  	s22 =	simm.s32 $0x1BFF;
	s21 =	sshll.u32 s6, $0x1;
	s3 =	sadd.s32 s4, s19  }
0x9c: {  	s7 =	simm.s32 $0x0;
	s20 =	sshll.u32 s5, $0x1;
	s5 =	sadd.s32 s21, s3  }
0x9d: {  	[timem:s7], [sflag:s22] =	dma.local [hbm:s5], s20  }
0x9e: {  	_ =	swait.ge [sflag:s22], s20  }
0x9f: {  	s4 =	ssub.s32 $0x0, s20;
	[sflag:s22] =	ssyncset.done $0x0  }
0xa0: {  	[sflag:s22] =	ssyncadd.s32 s4;
	_ =	sdelay $0x1  }
0xa1: {  	s23 =	simm.s32 $0x1B8B  }
0xa2: {  	_ =	swait.ge [sflag:s23], $0x1  }
0xa3: {  	[sflag:s23] =	ssyncset.done $0x0  }
0xa4: {  	s25 =	simm.s32 $0x1B8E;
	s24 =	sld [smem:$0x3FFE];
	[sflag:s23] =	ssyncadd.s32 $0xFFFFFFFF  }
0xa5: {  	s26 =	simm.s32 $execute0_lowered;
	[smem:$0x3FD2] =	sst s25  }
0xa6: {  	s5 =	sshll.u32 s26, $0x1;
	_ =	strace $0x80000046;
	[dreg:$0x1] =	wrdreg $0xFFFFFFFF  }
0xa7: {  	s28 =	simm.s32 $_size_execute0_lowered;
	s3 =	sadd.s32 s3, s5;
	[dreg:$0x0] =	wrdreg $0x0  }
0xa8: {  	s5 =	sshll.u32 s28, $0x1;
	[dreg:$0x2] =	wrdreg s3  }
0xa9: {  	[dreg:$0x3] =	wrdreg s5  }
0xaa: {  	[dreg:$0x4] =	wrdreg $0xC0  }
0xab: {  	_ =	task [dreg:s7], $0x5FFFF  }
0xac: {  	[dreg:$0x1] =	wrdreg $0xFFFFFFFF  }
0xad: {  	[dreg:$0x0] =	wrdreg $0x60  }
0xae: {  	[dreg:$0x2] =	wrdreg s24  }
0xaf: {  	[dreg:$0x3] =	wrdreg s2  }
0xb0: {  	[dreg:$0x4] =	wrdreg $0x0  }
0xb1: {  	[dreg:$0x5] =	wrdreg $0x9  }
0xb2: {  	_ =	task.clear_ibuf [dreg:s7], $0x6FFFF;
	_ =	strace $0x90000046  }
0xb3: {  	s29 =	simm.s32 $0x9;
	_ =	strace $0x80000048  }
0xb4: {  	_ =	swait.ge [sflag:s29], $0x1  }
0xb5: {  	[sflag:s29] =	ssyncadd.s32 $0xFFFFFFFF  }
0xb6: {  	_ =	strace $0x90000048  }
0xb7: {  	_ =	sfence  }
0xb8: {  	s30 =	sld [smem:$0x0];
	_ =	sdelay $0x2  }
0xb9: {  	s31 =	sshll.u32 s1, $0xD;
	s1 =	sshrl.u32 s1, $0x2  }
0xba: {  	s3 =	sand.u32 $0x4000, s31;
	s1 =	sadd.s32 s1, s30  }
0xbb: {  	s0 =	sor.u32 s3, s0;
	s1 =	sshll.u32 s1, $0x11  }
0xbc: {  	s0 =	sor.u32 s1, s0  }
0xbd: {  	s0 =	sadd.s32 $0x8F2B, s0  }
0xbe: {  	[sflag:s0] =	ssyncadd.remote.s32 $0x1  }
0xbf: {  	_ =	sfence.sel $0xFFFF  }
0xc0: {  	[dreg:$0x0] =	wrdreg $0xFFFFFFFF;
	(pc) =	sbr.abs _section_cstart, $3  }
0xc1: {  	[dreg:$0x1] =	wrdreg $0xFFFFFFFF  }
0xc2: {  	_ =	task.clear_ibuf [dreg:s7], $0x2FFFF;
	_ =	strace $0x9FFFFFFF  }
0xc3: {  	(tm) =	ssettm $0x7FFFFFFF  }
tec
execute0_lowered:
.L_overlay_start_1:
0x0: {  	(tag) =	ssettag $0x1  }
0x1: {  	s5 =	rddreg [dreg:$0x0]  }
0x2: {  	s0 =	srdreg.scid;
	s8 =	rddreg [dreg:$0x1]  }
0x3: {  	s2 =	rddreg [dreg:$0x2];
	s6 =	sand.u32 $0x1, s0  }
0x4: {  	s0 =	stileid.u32;
	s4 =	smul.u32 $0x4E200, s6  }
0x5: {  	s1 =	rddreg [dreg:$0x3];
	s3 =	simm.s32 $0x0;
	s7 =	smul.u32 $0x4E20, s0  }
0x6: {  	s12 =	simm.s32 $0x280;
	s13 =	simm.s32 $0x50A0;
	s31 =	smul.u32 $0x280, s0  }
0x7: {  	s14 =	simm.s32 $0x50;
	[smem:$0x7FF] =	sst s3;
	s9 =	smul.u32 $0x2800, s6  }
0x8: {  	s15 =	simm.s32 $0x0;
	_ =	strace $0x80000047;
	s6 =	ssub.s32 $0x2, s6  }
0x9: {  	s11 =	sshrl.u32 s6, $0x1;
	s4 =	sadd.s32 s7, s4;
	s9 =	sadd.s32 s31, s9  }
0xa: {  	s11 =	ssub.s32 s6, s11;
	s6 =	sadd.s32 s31, s2;
	s4 =	sshrl.u32 s4, $0x3  }
0xb: {  	s9 =	sshrl.u32 s9, $0x3;
	s10 =	sadd.s32 s4, s5;
	s4 =	sadd.s32 $0x15400, s5  }
0xc: {  	s5 =	sadd.s32 $0x15200, s5;
	s8 =	sadd.s32 s8, s9;
	s9 =	smax.u32 s11, $0x1  }
0xd: {  	s11 =	simm.s32 $0x1;
	s7 =	sadd.s32 $0x1800, s10;
	s10 =	simm.s32 $0x50F0  }
.LBB2_1:
0xe: {  	[tilespmem:s10], [sflag:$0x1] =	stream.linear.gather [hbm4b:s4+s3], $0x280, $0x38;
	[tilespmem:$0x5370] =	vst v63  }
0xf: {  	_ =	swait.ge [sflag:s11], $0x280  }
0x10: {  	[sflag:s11] =	ssyncset.done $0x0  }
0x11: {  	[sflag:s11] =	ssyncadd.s32 $0xFFFFFD80  }
0x12: {  	[spmem:s6] =	stream.linear.scatter [tilespmem:s10], [sflag:$0x1], $0x280, $0x38;
	[tilespmem:$0x5370] =	vst v63  }
0x13: {  	_ =	swait.ge [sflag:s11], $0x280  }
0x14: {  	[sflag:s11] =	ssyncset.done $0x0  }
0x15: {  	[sflag:s11] =	ssyncadd.s32 $0xFFFFFD80  }
0x16: {  	[tilespmem:s12], [sflag:$0x1] =	stream.linear.gather [hbm4b:s7+s3], $0x4E20, $0x38;
	[tilespmem:$0x5370] =	vst v63  }
0x17: {  	_ =	swait.ge [sflag:s11], $0x4E20  }
0x18: {  	[sflag:s11] =	ssyncset.done $0x0  }
0x19: {  	[sflag:s11] =	ssyncadd.s32 $0xFFFFB1E0  }
0x1a: {  	[tilespmem:s13], [sflag:$0x1] =	stream.linear.gather [hbm4b:s5+s3], $0x50, $0x38;
	[tilespmem:$0x5370] =	vst v63  }
0x1b: {  	_ =	swait.ge [sflag:s11], $0x50  }
0x1c: {  	[sflag:s11] =	ssyncset.done $0x0  }
0x1d: {  	[sflag:s11] =	ssyncadd.s32 $0xFFFFFFB0  }
0x1e: {  	s16 =	simm.s32 $0x280;
	[bflag:$0x0] =	sbarrier.arrive $0xFFFF  }
0x1f: {  	[spmem:s2] =	stream.indirect.scatter.add.f32 [tilespmem:s13], [sflag:$0x1], $0x1, s16, s14, $0xb8;
	[tilespmem:$0x5370] =	vst v63  }
0x20: {  	s16 =	simm.s32 $0x140;
	_ =	swait.ge [sflag:s11], $0x50  }
.LBB2_2:
0x21: {  	s17 =	sshra.s32 s16, $0x2;
	[sflag:s11] =	ssyncset.done $0x0;
	p0 =	sne.s32 s16, $0x13740  }
.Ltmp0:
0x22: {  	s17 =	sadd.s32 $0x280, s17;
	[sflag:s11] =	ssyncadd.s32 $0xFFFFFFB0;
	(pc) =	sbr.rel @p0 .LBB2_2-.Ltmp0, $3  }
0x23: {  	[spmem:s2] =	stream.indirect.scatter.add.f32 [tilespmem:s13], [sflag:$0x1], $0x1, s17, s14, $0xb8;
	[tilespmem:$0x5370] =	vst v63  }
0x24: {  	s16 =	sadd.s32 $0x140, s16;
	_ =	sdelay $0x1  }
0x25: {  	_ =	swait.ge [sflag:s11], $0x50  }
0x26: {  	[sflag:s11] =	ssyncset.done $0x0  }
0x27: {  	[sflag:s11] =	ssyncadd.s32 $0xFFFFFFB0  }
0x28: {  	[bflag:$0x0] =	sbarrier.arrive $0xFFFF  }
0x29: {  	[tilespmem:s10], [sflag:$0x1] =	stream.linear.gather [spmem:s6], $0x280, $0x38;
	[tilespmem:$0x5370] =	vst v63  }
0x2a: {  	s15 =	sadd.s32 $0x1, s15;
	_ =	swait.ge [sflag:s11], $0x280  }
0x2b: {  	p0 =	sne.s32 s15, s9;
	[sflag:s11] =	ssyncset.done $0x0  }
.Ltmp1:
0x2c: {  	[sflag:s11] =	ssyncadd.s32 $0xFFFFFD80;
	(pc) =	sbr.rel @p0 .LBB2_1-.Ltmp1, $4  }
0x2d: {  	[hbm4b:s8+s3] =	stream.linear.scatter [tilespmem:s10], [sflag:$0x1], $0x280, $0x38;
	[tilespmem:$0x5370] =	vst v63  }
0x2e: {  	_ =	swait.ge [sflag:s11], $0x280  }
0x2f: {  	[sflag:s11] =	ssyncset.done $0x0  }
0x30: {  	[sflag:s11] =	ssyncadd.s32 $0xFFFFFD80  }
0x31: {  	_ =	sfence.sel $0x180000  }
0x32: {  	[bflag:$0x0] =	sbarrier.arrive $0xFFFF  }
0x33: {  	p0 =	sne.s32 s0, $0x0;
	_ =	strace $0x90000047  }
0x34: {  	s0 =	sadd.s32 @!p0 $0x100000, s1;
	[bflag:$0x2] =	sbarrier.arrive $0xFFFF  }
0x35: {  	[sflag:s0] =	ssyncadd.tile.s32 @!p0 $0x1;
	_ =	shalt  }
.Lfunc_end2:
_tile_overlayer_lowered:
.L_overlay_start_2:
0x36: {  	(tag) =	ssettag $0x2  }
0x37: {  	s0 =	rddreg [dreg:$0x0];
	s2 =	stileid.u32  }
0x38: {  	s1 =	rddreg [dreg:$0x1];
	p0 =	sne.s32 s2, $0x0  }
0x39: {  	s3 =	rddreg [dreg:$0x2];
	[bflag:$0x3] =	sbarrier.arrive $0xFFFF;
	s2 =	simm.s32 @!p0 $0x1C01  }
0x3a: {  	[timem:s3], [sflag:s2] =	dma.local @!p0 [hbm:s0], s1  }
0x3b: {  	s0 =	simm.s32 @!p0 $0x1  }
0x3c: {  	_ =	swait.ge @!p0 [sflag:s0], s1  }
0x3d: {  	s1 =	ssub.s32 @!p0 $0x0, s1;
	[sflag:s0] =	ssyncset.done @!p0 $0x0  }
0x3e: {  	[sflag:s0] =	ssyncadd.s32 @!p0 s1  }
0x3f: {  	[bflag:$0x3] =	sbarrier.arrive $0xFFFF  }
0x40: {  	_ =	shalt  }

// kernel: kernel.9.cloned.1.call-start
scs
__scs_entry_jumppad:
0x0: {  	(pc) =	sbr.rel $0x88, $3  }
0x1: {  	(tag) =	ssettag $0x0;
	lr =	simm.s32 $0x1  }
0x2: {  	[smem:$0x3F9D] =	sst lr;
	_ =	strace $0xD0000000  }
0x3: {  	_ = 	snop  }
0x4: {  	_ = 	snop  }
0x5: {  	_ = 	snop  }
0x6: {  	_ = 	snop  }
0x7: {  	_ = 	snop  }
__scs_overlays_trampoline_lowered:
0x8: {  	[smem:$0x3FAC] =	sst s0  }
0x9: {  	[smem:$0x3FAD] =	sst s1  }
0xa: {  	[smem:$0x3FAE] =	sst s2  }
0xb: {  	[smem:$0x3FAF] =	sst s3  }
0xc: {  	[smem:$0x3FB0] =	sst s4  }
0xd: {  	[smem:$0x3FB1] =	sst s5  }
0xe: {  	[smem:$0x3FB2] =	sst s6  }
0xf: {  	[smem:$0x3FB3] =	sst s7  }
0x10: {  	[smem:$0x3FB4] =	sst s8  }
0x11: {  	[smem:$0x3FB5] =	sst s9;
	s0 =	simm.s32 @!p0 $0x0  }
0x12: {  	s1 =	sld [smem:$0x3F9B];
	s0 =	simm.s32 @p0 $0x1  }
0x13: {  	[smem:$0x3FB6] =	sst s0;
	s0 =	simm.s32 @!p1 $0x0  }
0x14: {  	s2 =	sld [smem:$0x3F9A];
	s0 =	simm.s32 @p1 $0x1  }
0x15: {  	[smem:$0x3FB7] =	sst s0;
	s0 =	simm.s32 @!p2 $0x0  }
0x16: {  	s3 =	sld [smem:$0x3FDB];
	s0 =	simm.s32 @p2 $0x1  }
0x17: {  	s4 =	simm.s32 $0x1BF5;
	[smem:$0x3FB9] =	sst s0  }
0x18: {  	s0 =	sld [smem:$0x3F9C];
	_ =	swait.ge [sflag:s4], $0x0  }
0x19: {  	s7 =	sld [smem:$0x3F9D]  }
0x1a: {  	s8 =	sadd.s32 $0xFFFFE003, lr  }
0x1b: {  	s9 =	sadd.s32 $0xFFFFFEF7, lr;
	s5 =	simm.s32 $0xFFFFFFFF;
	p2 =	slt.u32 s8, $0xFFFFF086  }
0x1c: {  	p1 =	slt.u32 s9, $0xF7A;
	s5 =	simm.s32 @!p2 $0x0  }
0x1d: {  	s5 =	simm.s32 @p1 $0x1;
	p0 =	seq.s32 s7, s2  }
0x1e: {  	s7 =	smul.u32 @!p0 $0xF7A, s2;
	p2 =	seq.s32 @!p0 s5, $0x0  }
0x1f: {  	s9 =	smul.u32 $0xF7A, s1;
	s8 =	simm.s32 @!p0 $0x1BF5;
	p2 =	por !p2, p0  }
0x20: {  	[sflag:s8] =	ssyncset.s32 @!p0 $0xFFFFF086;
	s6 =	sadd.s32 @!p0 s3, s7;
	s7 =	simm.s32 @!p0 $0x108  }
0x21: {  	s3 =	sadd.s32 s3, s9;
	s6 =	sadd.s32 @!p0 $0x88, s6;
	s7 =	simm.s32 @p2 $0x1082  }
0x22: {  	[simem:s7], [sflag:s8] =	dma.local @!p0 [hbm:s6], $0xF7A  }
0x23: {  	s9 =	sor.u32 $0xD0000000, s2;
	s6 =	simm.s32 $0x108;
	_ =	swait.ge @!p0 [sflag:s8], $0x0  }
0x24: {  	s3 =	sadd.s32 $0x88, s3;
	s6 =	simm.s32 @!p1 $0x1082;
	[sflag:s4] =	ssyncset.s32 $0xFFFFF086  }
0x25: {  	[simem:s6], [sflag:s4] =	dma.local [hbm:s3], $0xF7A  }
0x26: {  	[smem:$0x3F9D] =	sst s1;
	(tag) =	ssettag s2;
	_ =	strace s9  }
0x27: {  	s1 =	sld [smem:$0x3FAD]  }
0x28: {  	s2 =	sld [smem:$0x3FAE]  }
0x29: {  	s4 =	sld [smem:$0x3FB0]  }
0x2a: {  	p0 =	seq.s32 s5, $0x0;
	s5 =	sld [smem:$0x3FB1]  }
0x2b: {  	s6 =	sld [smem:$0x3FB2]  }
0x2c: {  	s7 =	sld [smem:$0x3FB3]  }
0x2d: {  	s3 =	simm.s32 $0x108;
	s8 =	sld [smem:$0x3FB4]  }
0x2e: {  	s3 =	simm.s32 @!p0 $0x1082;
	s9 =	sld [smem:$0x3FB5]  }
0x2f: {  	lr =	sadd.s32 s0, s3;
	s0 =	sld [smem:$0x3FAC]  }
0x30: {  	s3 =	sld [smem:$0x3FAF]  }
0x31: {  	[smem:$0x3FB8] =	sst s10  }
0x32: {  	s10 =	sld [smem:$0x3FB6];
	_ =	sdelay $0x3  }
0x33: {  	p0 =	seq.s32 s10, $0x1;
	s10 =	sld [smem:$0x3FB8];
	_ =	sdelay $0x3  }
0x34: {  	[smem:$0x3FB8] =	sst s10  }
0x35: {  	s10 =	sld [smem:$0x3FB7];
	_ =	sdelay $0x3  }
0x36: {  	p1 =	seq.s32 s10, $0x1;
	s10 =	sld [smem:$0x3FB8];
	_ =	sdelay $0x3  }
0x37: {  	[smem:$0x3FB8] =	sst s10  }
0x38: {  	s10 =	sld [smem:$0x3FB9]  }
0x39: {  	_ = 	snop;
	(pc) =	sbr.ind lr, $3  }
0x3a: {  	_ = 	snop  }
0x3b: {  	_ = 	snop  }
0x3c: {  	p2 =	seq.s32 s10, $0x1;
	s10 =	sld [smem:$0x3FB8]  }
0x3d: {  	_ =	shalt  }
0x3e: {  	_ =	shalt  }
0x3f: {  	_ =	shalt  }
0x40: {  	_ =	shalt  }
0x41: {  	_ =	shalt  }
0x42: {  	_ =	shalt  }
0x43: {  	_ =	shalt  }
0x44: {  	_ =	shalt  }
0x45: {  	_ =	shalt  }
0x46: {  	_ =	shalt  }
0x47: {  	_ =	shalt  }
0x48: {  	_ =	shalt  }
0x49: {  	_ =	shalt  }
0x4a: {  	_ =	shalt  }
0x4b: {  	_ =	shalt  }
0x4c: {  	_ =	shalt  }
0x4d: {  	_ =	shalt  }
0x4e: {  	_ =	shalt  }
0x4f: {  	_ =	shalt  }
0x50: {  	_ =	shalt  }
0x51: {  	_ =	shalt  }
0x52: {  	_ =	shalt  }
0x53: {  	_ =	shalt  }
0x54: {  	_ =	shalt  }
0x55: {  	_ =	shalt  }
0x56: {  	_ =	shalt  }
0x57: {  	_ =	shalt  }
0x58: {  	_ =	shalt  }
0x59: {  	_ =	shalt  }
0x5a: {  	_ =	shalt  }
0x5b: {  	_ =	shalt  }
0x5c: {  	_ =	shalt  }
0x5d: {  	_ =	shalt  }
0x5e: {  	_ =	shalt  }
0x5f: {  	_ =	shalt  }
0x60: {  	_ =	shalt  }
0x61: {  	_ =	shalt  }
0x62: {  	_ =	shalt  }
0x63: {  	_ =	shalt  }
0x64: {  	_ =	shalt  }
0x65: {  	_ =	shalt  }
0x66: {  	_ =	shalt  }
0x67: {  	_ =	shalt  }
0x68: {  	_ =	shalt  }
0x69: {  	_ =	shalt  }
0x6a: {  	_ =	shalt  }
0x6b: {  	_ =	shalt  }
0x6c: {  	_ =	shalt  }
0x6d: {  	_ =	shalt  }
0x6e: {  	_ =	shalt  }
0x6f: {  	_ =	shalt  }
0x70: {  	_ =	shalt  }
0x71: {  	_ =	shalt  }
0x72: {  	_ =	shalt  }
0x73: {  	_ =	shalt  }
0x74: {  	_ =	shalt  }
0x75: {  	_ =	shalt  }
0x76: {  	_ =	shalt  }
0x77: {  	_ =	shalt  }
0x78: {  	_ =	shalt  }
0x79: {  	_ =	shalt  }
0x7a: {  	_ =	shalt  }
0x7b: {  	_ =	shalt  }
0x7c: {  	_ =	shalt  }
0x7d: {  	_ =	shalt  }
0x7e: {  	_ =	shalt  }
0x7f: {  	_ =	shalt  }
0x80: {  	_ =	shalt  }
0x81: {  	_ =	shalt  }
0x82: {  	_ =	shalt  }
0x83: {  	_ =	shalt  }
0x84: {  	_ =	shalt  }
0x85: {  	_ =	shalt  }
0x86: {  	_ =	shalt  }
0x87: {  	_ =	shalt  }
.Lfunc_end0:
.L_simem_size_0:
called_computation.1_lowered:
.L_overlay_start_0:
0x88: {  	s2 =	sld [smem:$0x3FD9]  }
0x89: {  	s3 =	sld [smem:$0x3FFE];
	_ =	sdelay $0x1  }
0x8a: {  	s1 =	srdreg.scid  }
0x8b: {  	s0 =	sand.u32 $0x1, s1  }
0x8c: {  	s17 =	sshll.u32 s0, $0xA;
	s2 =	sadd.s32 s3, s2  }
0x8d: {  	s2 =	sadd.s32 s2, s17  }
0x8e: {  	[smem:$0x3FC4] =	sst s2  }
0x8f: {  	_ = 	snop  }
0x90: {  	s2 =	sld [smem:$0x3FD0];
	(tm) =	ssettm $0x1  }
0x91: {  	s18 =	sld [smem:$0x3FFB];
	_ =	sdelay $0x3  }
0x92: {  	_ =	strace s18  }
0x93: {  	s3 =	sld [smem:$0x3FFC];
	_ =	sdelay $0x3  }
0x94: {  	_ =	strace s3  }
0x95: {  	s3 =	sld [smem:$0x3FFD];
	_ =	sdelay $0x3  }
0x96: {  	_ =	strace s3  }
0x97: {  	_ =	strace $0x8FFFFFFF  }
0x98: {  	s19 =	sld [smem:$0x3FDB];
	_ =	sdelay $0x1  }
0x99: {  	s4 =	simm.s32 $_scs_section_size  }
0x9a: {  	s5 =	simm.s32 $_size__tile_overlayer_lowered;
	s6 =	simm.s32 $_tile_overlayer_lowered  }
0x9b: {  	s22 =	simm.s32 $0x1BFF;
	s21 =	sshll.u32 s6, $0x1;
	s3 =	sadd.s32 s4, s19  }
0x9c: {  	s7 =	simm.s32 $0x0;
	s20 =	sshll.u32 s5, $0x1;
	s5 =	sadd.s32 s21, s3  }
0x9d: {  	[timem:s7], [sflag:s22] =	dma.local [hbm:s5], s20  }
0x9e: {  	_ =	swait.ge [sflag:s22], s20  }
0x9f: {  	s4 =	ssub.s32 $0x0, s20;
	[sflag:s22] =	ssyncset.done $0x0  }
0xa0: {  	[sflag:s22] =	ssyncadd.s32 s4;
	_ =	sdelay $0x1  }
0xa1: {  	s23 =	simm.s32 $0x1B8B  }
0xa2: {  	_ =	swait.ge [sflag:s23], $0x1  }
0xa3: {  	[sflag:s23] =	ssyncset.done $0x0  }
0xa4: {  	s25 =	simm.s32 $0x1B8E;
	s24 =	sld [smem:$0x3FFE];
	[sflag:s23] =	ssyncadd.s32 $0xFFFFFFFF  }
0xa5: {  	s26 =	simm.s32 $execute0_lowered;
	[smem:$0x3FD2] =	sst s25  }
0xa6: {  	s5 =	sshll.u32 s26, $0x1;
	_ =	strace $0x80000049;
	[dreg:$0x1] =	wrdreg $0xFFFFFFFF  }
0xa7: {  	s28 =	simm.s32 $_size_execute0_lowered;
	s3 =	sadd.s32 s3, s5;
	[dreg:$0x0] =	wrdreg $0x0  }
0xa8: {  	s5 =	sshll.u32 s28, $0x1;
	[dreg:$0x2] =	wrdreg s3  }
0xa9: {  	[dreg:$0x3] =	wrdreg s5  }
0xaa: {  	[dreg:$0x4] =	wrdreg $0xC0  }
0xab: {  	_ =	task [dreg:s7], $0x5FFFF  }
0xac: {  	[dreg:$0x1] =	wrdreg $0xFFFFFFFF  }
0xad: {  	[dreg:$0x0] =	wrdreg $0x60  }
0xae: {  	[dreg:$0x2] =	wrdreg s2  }
0xaf: {  	[dreg:$0x3] =	wrdreg s24  }
0xb0: {  	[dreg:$0x4] =	wrdreg $0x0  }
0xb1: {  	[dreg:$0x5] =	wrdreg $0x9  }
0xb2: {  	_ =	task.clear_ibuf [dreg:s7], $0x6FFFF;
	_ =	strace $0x90000049  }
0xb3: {  	s29 =	simm.s32 $0x9;
	_ =	strace $0x8000004B  }
0xb4: {  	_ =	swait.ge [sflag:s29], $0x1  }
0xb5: {  	[sflag:s29] =	ssyncadd.s32 $0xFFFFFFFF  }
0xb6: {  	_ =	strace $0x9000004B  }
0xb7: {  	_ =	sfence  }
0xb8: {  	s30 =	sld [smem:$0x0];
	_ =	sdelay $0x2  }
0xb9: {  	s31 =	sshll.u32 s1, $0xD;
	s1 =	sshrl.u32 s1, $0x2  }
0xba: {  	s3 =	sand.u32 $0x4000, s31;
	s1 =	sadd.s32 s1, s30  }
0xbb: {  	s0 =	sor.u32 s3, s0;
	s1 =	sshll.u32 s1, $0x11  }
0xbc: {  	s0 =	sor.u32 s1, s0  }
0xbd: {  	s0 =	sadd.s32 $0x8F2B, s0  }
0xbe: {  	[sflag:s0] =	ssyncadd.remote.s32 $0x1  }
0xbf: {  	_ =	sfence.sel $0xFFFF  }
0xc0: {  	[dreg:$0x0] =	wrdreg $0xFFFFFFFF;
	(pc) =	sbr.abs _section_cstart, $3  }
0xc1: {  	[dreg:$0x1] =	wrdreg $0xFFFFFFFF  }
0xc2: {  	_ =	task.clear_ibuf [dreg:s7], $0x2FFFF;
	_ =	strace $0x9FFFFFFF  }
0xc3: {  	(tm) =	ssettm $0x7FFFFFFF  }
tec
execute0_lowered:
.L_overlay_start_1:
0x0: {  	(tag) =	ssettag $0x1  }
0x1: {  	s1 =	rddreg [dreg:$0x0];
	s0 =	srdreg.scid  }
0x2: {  	s2 =	rddreg [dreg:$0x1];
	s7 =	stileid.u32  }
0x3: {  	s3 =	rddreg [dreg:$0x2];
	s4 =	simm.s32 $0x0;
	s30 =	simm.s32 $0x50  }
0x4: {  	s31 =	simm.s32 $0x1;
	s0 =	sand.u32 $0x1, s0;
	s6 =	smul.u32 $0x2710, s7  }
0x5: {  	[smem:$0x7FF] =	sst s4;
	s14 =	smul.u32 $0x14000, s7;
	s17 =	sadd.s32 $0x15200, s2  }
0x6: {  	s5 =	smul.u32 $0x27100, s0;
	_ =	strace $0x8000004A;
	s16 =	ssub.s32 $0x2, s0  }
0x7: {  	[dreg:$0x4] =	wrdreg s17;
	s0 =	smul.u32 $0x140000, s0;
	s18 =	sshrl.u32 s16, $0x1  }
0x8: {  	s17 =	sadd.s32 $0x5000, s14;
	s19 =	sadd.s32 $0xA000, s14;
	s20 =	sadd.s32 $0xC800, s14  }
0x9: {  	s21 =	sadd.s32 $0xF000, s14;
	s22 =	sadd.s32 $0x11800, s14;
	s5 =	sadd.s32 s6, s5  }
0xa: {  	s24 =	ssub.s32 s16, s18;
	s6 =	sadd.s32 s14, s3;
	s16 =	sor.u32 $0x2800, s14  }
0xb: {  	s18 =	sadd.s32 $0x7800, s14;
	s8 =	sadd.s32 s17, s3;
	s10 =	sadd.s32 s19, s3  }
0xc: {  	s11 =	sadd.s32 s20, s3;
	s12 =	sadd.s32 s21, s3;
	s13 =	sadd.s32 s22, s3  }
0xd: {  	s23 =	sadd.s32 s14, s0;
	s26 =	sadd.s32 s0, s17;
	s28 =	sadd.s32 s0, s19  }
0xe: {  	s29 =	sadd.s32 s0, s20;
	s21 =	sadd.s32 s0, s21;
	s5 =	sshrl.u32 s5, $0x3  }
0xf: {  	s7 =	sadd.s32 s16, s3;
	s9 =	sadd.s32 s18, s3;
	s25 =	sadd.s32 s0, s16  }
0x10: {  	s18 =	sadd.s32 s0, s18;
	s0 =	sadd.s32 s0, s22;
	s20 =	sshrl.u32 s23, $0x3  }
0x11: {  	s23 =	sshrl.u32 s26, $0x3;
	s26 =	sshrl.u32 s28, $0x3;
	s28 =	sshrl.u32 s29, $0x3  }
0x12: {  	s29 =	sshrl.u32 s21, $0x3;
	s24 =	smax.u32 s24, $0x1;
	s15 =	sadd.s32 s5, s2  }
0x13: {  	s2 =	sadd.s32 $0x15800, s2;
	s22 =	sshrl.u32 s25, $0x3;
	s25 =	sshrl.u32 s18, $0x3  }
0x14: {  	s0 =	sshrl.u32 s0, $0x3;
	s19 =	sadd.s32 $0x1800, s15;
	s15 =	sadd.s32 $0xB440, s15  }
0x15: {  	s16 =	sadd.s32 s2, s20;
	s17 =	sadd.s32 s2, s22;
	s18 =	sadd.s32 s2, s23  }
0x16: {  	s20 =	sadd.s32 s2, s26;
	s21 =	sadd.s32 s2, s28;
	s22 =	sadd.s32 s2, s29  }
0x17: {  	s23 =	sadd.s32 s2, s0;
	s26 =	simm.s32 $0x2;
	[dreg:$0x5] =	wrdreg s19  }
0x18: {  	s19 =	sadd.s32 s2, s25;
	s25 =	simm.s32 $0x18E20;
	s2 =	simm.s32 $0x0  }
.LBB2_1:
0x19: {  	s0 =	rddreg [dreg:$0x4]  }
0x1a: {  	[tilespmem:s25], [sflag:$0x2] =	stream.linear.gather [hbm4b:s0+s4], $0x2800, $0x38;
	[tilespmem:$0x1B620] =	vst v63  }
0x1b: {  	_ =	swait.ge [sflag:s26], $0x2800  }
0x1c: {  	[sflag:s26] =	ssyncset.done $0x0  }
0x1d: {  	[sflag:s26] =	ssyncadd.s32 $0xFFFFD800  }
0x1e: {  	[spmem:s6] =	stream.linear.scatter [tilespmem:s25], [sflag:$0x2], $0x2800, $0x38;
	[tilespmem:$0x1B620] =	vst v63  }
0x1f: {  	_ =	swait.ge [sflag:s26], $0x2800  }
0x20: {  	[sflag:s26] =	ssyncset.done $0x0  }
0x21: {  	[sflag:s26] =	ssyncadd.s32 $0xFFFFD800  }
0x22: {  	[spmem:s7] =	stream.linear.scatter [tilespmem:s25], [sflag:$0x2], $0x2800, $0x38;
	[tilespmem:$0x1B620] =	vst v63  }
0x23: {  	_ =	swait.ge [sflag:s26], $0x2800  }
0x24: {  	[sflag:s26] =	ssyncset.done $0x0  }
0x25: {  	[sflag:s26] =	ssyncadd.s32 $0xFFFFD800  }
0x26: {  	[spmem:s8] =	stream.linear.scatter [tilespmem:s25], [sflag:$0x2], $0x2800, $0x38;
	[tilespmem:$0x1B620] =	vst v63  }
0x27: {  	_ =	swait.ge [sflag:s26], $0x2800  }
0x28: {  	[sflag:s26] =	ssyncset.done $0x0  }
0x29: {  	[sflag:s26] =	ssyncadd.s32 $0xFFFFD800  }
0x2a: {  	[spmem:s9] =	stream.linear.scatter [tilespmem:s25], [sflag:$0x2], $0x2800, $0x38;
	[tilespmem:$0x1B620] =	vst v63  }
0x2b: {  	_ =	swait.ge [sflag:s26], $0x2800  }
0x2c: {  	[sflag:s26] =	ssyncset.done $0x0  }
0x2d: {  	[sflag:s26] =	ssyncadd.s32 $0xFFFFD800  }
0x2e: {  	[spmem:s10] =	stream.linear.scatter [tilespmem:s25], [sflag:$0x2], $0x2800, $0x38;
	[tilespmem:$0x1B620] =	vst v63  }
0x2f: {  	_ =	swait.ge [sflag:s26], $0x2800  }
0x30: {  	[sflag:s26] =	ssyncset.done $0x0  }
0x31: {  	[sflag:s26] =	ssyncadd.s32 $0xFFFFD800  }
0x32: {  	[spmem:s11] =	stream.linear.scatter [tilespmem:s25], [sflag:$0x2], $0x2800, $0x38;
	[tilespmem:$0x1B620] =	vst v63  }
0x33: {  	_ =	swait.ge [sflag:s26], $0x2800  }
0x34: {  	[sflag:s26] =	ssyncset.done $0x0  }
0x35: {  	[sflag:s26] =	ssyncadd.s32 $0xFFFFD800  }
0x36: {  	[spmem:s12] =	stream.linear.scatter [tilespmem:s25], [sflag:$0x2], $0x2800, $0x38;
	[tilespmem:$0x1B620] =	vst v63  }
0x37: {  	_ =	swait.ge [sflag:s26], $0x2800  }
0x38: {  	[sflag:s26] =	ssyncset.done $0x0  }
0x39: {  	[sflag:s26] =	ssyncadd.s32 $0xFFFFD800  }
0x3a: {  	[spmem:s13] =	stream.linear.scatter [tilespmem:s25], [sflag:$0x2], $0x2800, $0x38;
	[tilespmem:$0x1B620] =	vst v63  }
0x3b: {  	_ =	swait.ge [sflag:s26], $0x2800  }
0x3c: {  	[sflag:s26] =	ssyncset.done $0x0  }
0x3d: {  	s5 =	simm.s32 $0x14000;
	s29 =	rddreg [dreg:$0x5];
	[sflag:s26] =	ssyncadd.s32 $0xFFFFD800  }
0x3e: {  	[tilespmem:s5], [sflag:$0x2] =	stream.linear.gather [hbm4b:s29+s4], $0x2710, $0x38;
	[tilespmem:$0x1B620] =	vst v63  }
0x3f: {  	_ =	swait.ge [sflag:s26], $0x2710  }
0x40: {  	[sflag:s26] =	ssyncset.done $0x0  }
0x41: {  	s5 =	simm.s32 $0x16710;
	[sflag:s26] =	ssyncadd.s32 $0xFFFFD8F0  }
0x42: {  	[tilespmem:s5], [sflag:$0x2] =	stream.linear.gather [hbm4b:s15+s4], $0x2710, $0x38;
	[tilespmem:$0x1B620] =	vst v63  }
0x43: {  	_ =	swait.ge [sflag:s26], $0x2710  }
0x44: {  	[sflag:s26] =	ssyncset.done $0x0  }
0x45: {  	[sflag:s26] =	ssyncadd.s32 $0xFFFFD8F0  }
0x46: {  	s14 =	simm.s32 $0x14000;
	[bflag:$0x0] =	sbarrier.arrive $0xFFFF  }
0x47: {  	[tilespmem:s25], [sflag:$0x1] =	stream.indirect.gather [hbm4b:s1+s30], $0x80, s14, s30, $0xb8;
	[tilespmem:$0x1B620] =	vst v63  }
0x48: {  	_ =	swait.ge [sflag:s31], $0x2800  }
0x49: {  	[sflag:s31] =	ssyncset.done $0x0  }
0x4a: {  	s29 =	simm.s32 $0x16710;
	[sflag:s31] =	ssyncadd.s32 $0xFFFFD800  }
0x4b: {  	[spmem:s3] =	stream.indirect.scatter.add.f32 [tilespmem:s25], [sflag:$0x2], $0x80, s29, s30, $0xb8;
	[tilespmem:$0x1B620] =	vst v63  }
0x4c: {  	_ =	swait.ge [sflag:s26], $0x2800  }
0x4d: {  	s28 =	simm.s32 $0x280;
	s0 =	simm.s32 $0x50;
	[sflag:s26] =	ssyncset.done $0x0  }
.LBB2_2:
0x4e: {  	s29 =	sadd.s32 $0x14000, s0  }
0x4f: {  	[sflag:s26] =	ssyncadd.s32 $0xFFFFD800;
	s5 =	smov.u32 s28;
	s14 =	sadd.s32 $0x140, s28  }
0x50: {  	[tilespmem:s25], [sflag:$0x1] =	stream.indirect.gather [hbm4b:s1+s30], $0x80, s29, s30, $0xb8;
	[tilespmem:$0x1B620] =	vst v63  }
0x51: {  	p0 =	sne.s32 s28, $0x9B00;
	_ =	swait.ge [sflag:s31], $0x2800  }
.Ltmp0:
0x52: {  	[sflag:s31] =	ssyncset.done $0x0;
	(pc) =	sbr.rel @p0 .LBB2_2-.Ltmp0, $4  }
0x53: {  	s0 =	sadd.s32 $0x16710, s0;
	[sflag:s31] =	ssyncadd.s32 $0xFFFFD800  }
0x54: {  	[spmem:s3] =	stream.indirect.scatter.add.f32 [tilespmem:s25], [sflag:$0x2], $0x80, s0, s30, $0xb8;
	[tilespmem:$0x1B620] =	vst v63  }
0x55: {  	_ =	swait.ge [sflag:s26], $0x2800  }
0x56: {  	s28 =	smov.u32 s14;
	s0 =	sshra.s32 s5, $0x2;
	[sflag:s26] =	ssyncset.done $0x0  }
0x57: {  	s5 =	sadd.s32 $0x14000, s0;
	[sflag:s26] =	ssyncadd.s32 $0xFFFFD800  }
0x58: {  	[tilespmem:s25], [sflag:$0x1] =	stream.indirect.gather [hbm4b:s1+s30], $0x80, s5, s30, $0xb8;
	[tilespmem:$0x1B620] =	vst v63  }
0x59: {  	_ =	swait.ge [sflag:s31], $0x2800  }
0x5a: {  	[sflag:s31] =	ssyncset.done $0x0  }
0x5b: {  	s29 =	sadd.s32 $0x16710, s0;
	[sflag:s31] =	ssyncadd.s32 $0xFFFFD800  }
0x5c: {  	[spmem:s3] =	stream.indirect.scatter.add.f32 [tilespmem:s25], [sflag:$0x2], $0x80, s29, s30, $0xb8;
	[tilespmem:$0x1B620] =	vst v63  }
0x5d: {  	_ =	swait.ge [sflag:s26], $0x2800  }
0x5e: {  	[sflag:s26] =	ssyncset.done $0x0  }
0x5f: {  	[sflag:s26] =	ssyncadd.s32 $0xFFFFD800  }
0x60: {  	[bflag:$0x0] =	sbarrier.arrive $0xFFFF  }
0x61: {  	[tilespmem:s25], [sflag:$0x2] =	stream.linear.gather [spmem:s6], $0x2800, $0x38;
	[tilespmem:$0x1B620] =	vst v63  }
0x62: {  	_ =	swait.ge [sflag:s26], $0x2800  }
0x63: {  	[sflag:s26] =	ssyncset.done $0x0  }
0x64: {  	[sflag:s26] =	ssyncadd.s32 $0xFFFFD800  }
0x65: {  	[hbm4b:s16+s4] =	stream.linear.scatter [tilespmem:s25], [sflag:$0x2], $0x2800, $0x38;
	[tilespmem:$0x1B620] =	vst v63  }
0x66: {  	_ =	swait.ge [sflag:s26], $0x2800  }
0x67: {  	[sflag:s26] =	ssyncset.done $0x0  }
0x68: {  	[sflag:s26] =	ssyncadd.s32 $0xFFFFD800  }
0x69: {  	[tilespmem:s25], [sflag:$0x2] =	stream.linear.gather [spmem:s7], $0x2800, $0x38;
	[tilespmem:$0x1B620] =	vst v63  }
0x6a: {  	_ =	swait.ge [sflag:s26], $0x2800  }
0x6b: {  	[sflag:s26] =	ssyncset.done $0x0  }
0x6c: {  	[sflag:s26] =	ssyncadd.s32 $0xFFFFD800  }
0x6d: {  	[hbm4b:s17+s4] =	stream.linear.scatter [tilespmem:s25], [sflag:$0x2], $0x2800, $0x38;
	[tilespmem:$0x1B620] =	vst v63  }
0x6e: {  	_ =	swait.ge [sflag:s26], $0x2800  }
0x6f: {  	[sflag:s26] =	ssyncset.done $0x0  }
0x70: {  	[sflag:s26] =	ssyncadd.s32 $0xFFFFD800  }
0x71: {  	[tilespmem:s25], [sflag:$0x2] =	stream.linear.gather [spmem:s8], $0x2800, $0x38;
	[tilespmem:$0x1B620] =	vst v63  }
0x72: {  	_ =	swait.ge [sflag:s26], $0x2800  }
0x73: {  	[sflag:s26] =	ssyncset.done $0x0  }
0x74: {  	[sflag:s26] =	ssyncadd.s32 $0xFFFFD800  }
0x75: {  	[hbm4b:s18+s4] =	stream.linear.scatter [tilespmem:s25], [sflag:$0x2], $0x2800, $0x38;
	[tilespmem:$0x1B620] =	vst v63  }
0x76: {  	_ =	swait.ge [sflag:s26], $0x2800  }
0x77: {  	[sflag:s26] =	ssyncset.done $0x0  }
0x78: {  	[sflag:s26] =	ssyncadd.s32 $0xFFFFD800  }
0x79: {  	[tilespmem:s25], [sflag:$0x2] =	stream.linear.gather [spmem:s9], $0x2800, $0x38;
	[tilespmem:$0x1B620] =	vst v63  }
0x7a: {  	_ =	swait.ge [sflag:s26], $0x2800  }
0x7b: {  	[sflag:s26] =	ssyncset.done $0x0  }
0x7c: {  	[sflag:s26] =	ssyncadd.s32 $0xFFFFD800  }
0x7d: {  	[hbm4b:s19+s4] =	stream.linear.scatter [tilespmem:s25], [sflag:$0x2], $0x2800, $0x38;
	[tilespmem:$0x1B620] =	vst v63  }
0x7e: {  	_ =	swait.ge [sflag:s26], $0x2800  }
0x7f: {  	[sflag:s26] =	ssyncset.done $0x0  }
0x80: {  	[sflag:s26] =	ssyncadd.s32 $0xFFFFD800  }
0x81: {  	[tilespmem:s25], [sflag:$0x2] =	stream.linear.gather [spmem:s10], $0x2800, $0x38;
	[tilespmem:$0x1B620] =	vst v63  }
0x82: {  	_ =	swait.ge [sflag:s26], $0x2800  }
0x83: {  	[sflag:s26] =	ssyncset.done $0x0  }
0x84: {  	[sflag:s26] =	ssyncadd.s32 $0xFFFFD800  }
0x85: {  	[hbm4b:s20+s4] =	stream.linear.scatter [tilespmem:s25], [sflag:$0x2], $0x2800, $0x38;
	[tilespmem:$0x1B620] =	vst v63  }
0x86: {  	_ =	swait.ge [sflag:s26], $0x2800  }
0x87: {  	[sflag:s26] =	ssyncset.done $0x0  }
0x88: {  	[sflag:s26] =	ssyncadd.s32 $0xFFFFD800  }
0x89: {  	[tilespmem:s25], [sflag:$0x2] =	stream.linear.gather [spmem:s11], $0x2800, $0x38;
	[tilespmem:$0x1B620] =	vst v63  }
0x8a: {  	_ =	swait.ge [sflag:s26], $0x2800  }
0x8b: {  	[sflag:s26] =	ssyncset.done $0x0  }
0x8c: {  	[sflag:s26] =	ssyncadd.s32 $0xFFFFD800  }
0x8d: {  	[hbm4b:s21+s4] =	stream.linear.scatter [tilespmem:s25], [sflag:$0x2], $0x2800, $0x38;
	[tilespmem:$0x1B620] =	vst v63  }
0x8e: {  	_ =	swait.ge [sflag:s26], $0x2800  }
0x8f: {  	[sflag:s26] =	ssyncset.done $0x0  }
0x90: {  	[sflag:s26] =	ssyncadd.s32 $0xFFFFD800  }
0x91: {  	[tilespmem:s25], [sflag:$0x2] =	stream.linear.gather [spmem:s12], $0x2800, $0x38;
	[tilespmem:$0x1B620] =	vst v63  }
0x92: {  	_ =	swait.ge [sflag:s26], $0x2800  }
0x93: {  	[sflag:s26] =	ssyncset.done $0x0  }
0x94: {  	[sflag:s26] =	ssyncadd.s32 $0xFFFFD800  }
0x95: {  	[hbm4b:s22+s4] =	stream.linear.scatter [tilespmem:s25], [sflag:$0x2], $0x2800, $0x38;
	[tilespmem:$0x1B620] =	vst v63  }
0x96: {  	_ =	swait.ge [sflag:s26], $0x2800  }
0x97: {  	[sflag:s26] =	ssyncset.done $0x0  }
0x98: {  	[sflag:s26] =	ssyncadd.s32 $0xFFFFD800  }
0x99: {  	[tilespmem:s25], [sflag:$0x2] =	stream.linear.gather [spmem:s13], $0x2800, $0x38;
	[tilespmem:$0x1B620] =	vst v63  }
0x9a: {  	s2 =	sadd.s32 $0x1, s2;
	_ =	swait.ge [sflag:s26], $0x2800  }
0x9b: {  	p0 =	sne.s32 s2, s24;
	[sflag:s26] =	ssyncset.done $0x0  }
.Ltmp1:
0x9c: {  	[sflag:s26] =	ssyncadd.s32 $0xFFFFD800;
	(pc) =	sbr.rel @p0 .LBB2_1-.Ltmp1, $4  }
0x9d: {  	[hbm4b:s23+s4] =	stream.linear.scatter [tilespmem:s25], [sflag:$0x2], $0x2800, $0x38;
	[tilespmem:$0x1B620] =	vst v63  }
0x9e: {  	_ =	swait.ge [sflag:s26], $0x2800  }
0x9f: {  	[sflag:s26] =	ssyncset.done $0x0  }
0xa0: {  	[sflag:s26] =	ssyncadd.s32 $0xFFFFD800  }
0xa1: {  	_ =	sfence.sel $0x180000  }
0xa2: {  	[bflag:$0x0] =	sbarrier.arrive $0xFFFF  }
0xa3: {  	_ =	strace $0x9000004A  }
0xa4: {  	s0 =	stileid.u32;
	[bflag:$0x2] =	sbarrier.arrive $0xFFFF  }
0xa5: {  	p0 =	sne.s32 s0, $0x0;
	s0 =	rddreg [dreg:$0x3]  }
0xa6: {  	s0 =	sadd.s32 @!p0 $0x100000, s0  }
0xa7: {  	[sflag:s0] =	ssyncadd.tile.s32 @!p0 $0x1;
	_ =	shalt  }
.Lfunc_end2:
_tile_overlayer_lowered:
.L_overlay_start_2:
0xa8: {  	(tag) =	ssettag $0x2  }
0xa9: {  	s0 =	rddreg [dreg:$0x0];
	s2 =	stileid.u32  }
0xaa: {  	s1 =	rddreg [dreg:$0x1];
	p0 =	sne.s32 s2, $0x0  }
0xab: {  	s3 =	rddreg [dreg:$0x2];
	[bflag:$0x3] =	sbarrier.arrive $0xFFFF;
	s2 =	simm.s32 @!p0 $0x1C02  }
0xac: {  	[timem:s3], [sflag:s2] =	dma.local @!p0 [hbm:s0], s1  }
0xad: {  	s0 =	simm.s32 @!p0 $0x2  }
0xae: {  	_ =	swait.ge @!p0 [sflag:s0], s1  }
0xaf: {  	s1 =	ssub.s32 @!p0 $0x0, s1;
	[sflag:s0] =	ssyncset.done @!p0 $0x0  }
0xb0: {  	[sflag:s0] =	ssyncadd.s32 @!p0 s1  }
0xb1: {  	[bflag:$0x3] =	sbarrier.arrive $0xFFFF  }
0xb2: {  	_ =	shalt  }

</sc_bundles>
